<compile_context>
chip_gen: v7x
topology: tpu7x:2x2x1
jax: 0.10.2.dev20260603
libtpu: 0.0.44.dev20260713+nightly
codegen_flags: <defaults>
</compile_context>

<pallas_src>
import functools

import jax
import jax.numpy as jnp
from jax import lax
from jax.experimental import pallas as pl
from jax.experimental.pallas import tpu as pltpu
from jax.experimental.pallas import tpu_sc as plsc

B = 4096
L = 50
MAX_SEQ_LEN = 128
VOCAB = 10
PAD_TOKEN = 9
EMBED_DIM = 128
NBUF = 3
RPS = 2


def kernel(player_idxs, table):
    idx_dtype = player_idxs.dtype
    info = plsc.get_sparse_core_info()
    nc, ns = info.num_cores, info.num_subcores
    nw = nc * ns
    rpw = B // nw

    mesh = plsc.VectorSubcoreMesh(core_axis_name="c", subcore_axis_name="s")

    @functools.partial(
        pl.kernel,
        mesh=mesh,
        out_type=[
            jax.ShapeDtypeStruct((B, MAX_SEQ_LEN), idx_dtype),
            jax.ShapeDtypeStruct((B, MAX_SEQ_LEN, EMBED_DIM), jnp.float32),
        ],
        scratch_types=[
            pltpu.VMEM((rpw * L + 16,), jnp.int32),
            pltpu.VMEM((rpw, MAX_SEQ_LEN), jnp.int32),
            pltpu.VMEM_SHARED((VOCAB, EMBED_DIM), jnp.float32),
            pltpu.VMEM((NBUF, RPS, MAX_SEQ_LEN, EMBED_DIM), jnp.float32),
            pltpu.SemaphoreType.DMA,
            pltpu.SemaphoreType.DMA,
            pltpu.SemaphoreType.DMA,
        ],
    )
    def k(player_hbm, table_hbm, idxs_hbm, emb_hbm, raw_v, idx_v, table_v,
          bufs, gsem, ssem, isem):
        wid = lax.axis_index("s") * nc + lax.axis_index("c")
        base = wid * rpw

        raw_cp = pltpu.make_async_copy(
            player_hbm.at[pl.ds(base * L, rpw * L)],
            raw_v.at[pl.ds(0, rpw * L)],
            isem,
        )
        raw_cp.start()

        @pl.when(lax.axis_index("s") == 0)
        def _():
            pltpu.sync_copy(table_hbm, table_v)

        plsc.subcore_barrier()
        raw_cp.wait()

        pad_vec = jnp.full((16,), PAD_TOKEN, jnp.int32)
        col = lax.iota(jnp.int32, 16)
        keep = col < (L - 48)

        def pad_row(r):
            off = r * L
            for cb in range(3):
                idx_v[r, pl.ds(cb * 16, 16)] = raw_v[pl.ds(off + cb * 16, 16)]
            blk = raw_v[pl.ds(off + 48, 16)]
            idx_v[r, pl.ds(48, 16)] = jnp.where(keep, blk, pad_vec)
            for cb in range(4, 8):
                idx_v[r, pl.ds(cb * 16, 16)] = pad_vec

        niter = rpw // RPS

        def g_desc(i, j):
            return pltpu.make_async_copy(
                table_v.at[idx_v.at[RPS * i + j, pl.ds(0, L)]],
                bufs.at[i % NBUF, j, pl.ds(0, L)],
                gsem,
            )

        def s_desc(i):
            return pltpu.make_async_copy(
                bufs.at[i % NBUF], emb_hbm.at[pl.ds(base + RPS * i, RPS)], ssem,
            )

        pad_row(0)
        tail = MAX_SEQ_LEN - L

        def tail_desc(b, j):
            return pltpu.make_async_copy(
                table_v.at[idx_v.at[0, pl.ds(L, tail)]],
                bufs.at[b, j, pl.ds(L, tail)],
                ssem,
            )

        for b in range(NBUF):
            for j in range(RPS):
                tail_desc(b, j).start()

        for i in range(NBUF - 1):
            for j in range(RPS):
                if RPS * i + j > 0:
                    pad_row(RPS * i + j)
                g_desc(i, j).start()

        for b in range(NBUF):
            for j in range(RPS):
                tail_desc(b, j).wait()

        def body(i, carry):
            @pl.when(i + NBUF - 1 < niter)
            def _():
                for j in range(RPS):
                    pad_row(RPS * (i + NBUF - 1) + j)

                @pl.when(i >= 1)
                def _():
                    s_desc(i - 1).wait()

                for j in range(RPS):
                    g_desc(i + NBUF - 1, j).start()

            for j in range(RPS):
                g_desc(i, j).wait()
            s_desc(i).start()

            @pl.when(i == niter - NBUF + 1)
            def _():
                pltpu.make_async_copy(
                    idx_v, idxs_hbm.at[pl.ds(base, rpw), :], isem
                ).start()

            return carry

        lax.fori_loop(0, niter, body, 0)

        for i in range(NBUF, 0, -1):
            s_desc(niter - i).wait()
        pltpu.make_async_copy(
            idx_v, idxs_hbm.at[pl.ds(base, rpw), :], isem
        ).wait()

    idxs, emb = k(player_idxs.reshape(-1), table)
    return (idxs.astype(idx_dtype), emb)

# --- scband reference (transcript-rebuilt; emitter-appended) ---
"""Pipeline reference for scband-table-positional-encoding-85624468013480 (READ-ONLY COPY).

The authoritative reference and input builder live on the scoring server;
editing this copy changes nothing except your own understanding.
"""

import jax, jax.numpy as jnp
import numpy as np

B = 4096
L = 50
MAX_SEQ_LEN = 128
NUM_PLAYERS = 8
VOCAB = NUM_PLAYERS + 2  # 10: players + new_round + pad
PAD_TOKEN = NUM_PLAYERS + 1  # 9
EMBED_DIM = 128


def setup_inputs(seed: int = 0) -> dict:
    key = jax.random.key(seed)
    k1, k2 = jax.random.split(key)
    player_idxs = jax.random.randint(k1, (B, L), 0, VOCAB)
    # learned embedding table, sized per init_kwargs (num_players+2, embedding_dim)
    table = jax.random.normal(k2, (VOCAB, EMBED_DIM), dtype=jnp.float32)
    return {"player_idxs": player_idxs, "table": table}


def reference(player_idxs, table):
    b, l = player_idxs.shape
    # pad the index sequence out to max_seq_len with the pad token
    idxs = jnp.full((b, MAX_SEQ_LEN), PAD_TOKEN, dtype=player_idxs.dtype)
    idxs = idxs.at[:, :l].set(player_idxs)
    # embedding lookup (gather)
    emb = jnp.take(table, idxs, axis=0)
    return (idxs, emb)

if __name__ == "__main__":
    import jax
    _d = setup_inputs()
    print(jax.jit(kernel)(*tuple(_d.values())))

</pallas_src>

<mosaic_0001>
#map = affine_map<(d0, d1) -> (0)>
#map1 = affine_map<(d0, d1) -> (0, 0)>
#map2 = affine_map<(d0, d1) -> (0, 0, 0)>
module attributes {stable_mosaic.version = 14 : i64} {
  func.func @k(%arg0: i32, %arg1: i32, %arg2: memref<204800xi32, #tpu.memory_space<hbm>>, %arg3: memref<10x128xf32, #tpu.memory_space<hbm>>, %arg4: memref<4096x128xi32, #tpu.memory_space<hbm>>, %arg5: memref<4096x128x128xf32, #tpu.memory_space<hbm>>, %arg6: memref<6416xi32, #tpu.memory_space<vmem>>, %arg7: memref<128x128xi32, #tpu.memory_space<vmem>>, %arg8: memref<10x128xf32, #tpu.memory_space<vmem_shared>>, %arg9: memref<3x2x128x128xf32, #tpu.memory_space<vmem>>, %arg10: memref<!tpu.dma_semaphore, #tpu.memory_space<semaphore_mem>>, %arg11: memref<!tpu.dma_semaphore, #tpu.memory_space<semaphore_mem>>, %arg12: memref<!tpu.dma_semaphore, #tpu.memory_space<semaphore_mem>>) attributes {dimension_semantics = [#tpu.dimension_semantics<core_parallel>, #tpu.dimension_semantics<subcore_parallel>], iteration_bounds = array<i64: 2, 16>, scalar_prefetch = 0 : i64, scratch_operands = 7 : i64, tpu.core_type = #tpu.core_type<sc_vector_subcore>, window_params = [{transform_indices = #map}, {transform_indices = #map1}, {transform_indices = #map1}, {transform_indices = #map2}]} {
    %mul3A = arith.constant 2 : i32
    %mul3A_0 = arith.muli %arg1, %mul3A : i32
    %add3A = arith.addi %mul3A_0, %arg0 : i32
    %mul3A_1 = arith.constant 128 : i32
    %mul3A_2 = arith.muli %add3A, %mul3A_1 : i32
    %mul3A_3 = arith.constant 50 : i32
    %mul3A_4 = arith.muli %mul3A_2, %mul3A_3 : i32
    %dma_start3A = arith.constant 0 : i32
    %dma_start3A_5 = tpu.memref_slice %arg6[%dma_start3A] : memref<6416xi32, #tpu.memory_space<vmem>> -> memref<6400xi32, #tpu.memory_space<vmem>>
    %dma_start3A_6 = tpu.memref_slice %arg2[%mul3A_4] : memref<204800xi32, #tpu.memory_space<hbm>> -> memref<6400xi32, #tpu.memory_space<hbm>>
    %dma_start3A_7 = arith.constant 0 : i32
    %dma_start3A_8 = tpu.memref_slice %arg6[%dma_start3A_7] : memref<6416xi32, #tpu.memory_space<vmem>> -> memref<6400xi32, #tpu.memory_space<vmem>>
    %dma_start3A_9 = tpu.memref_slice %arg2[%mul3A_4] : memref<204800xi32, #tpu.memory_space<hbm>> -> memref<6400xi32, #tpu.memory_space<hbm>>
    tpu.enqueue_dma source(%dma_start3A_9 : memref<6400xi32, #tpu.memory_space<hbm>>) target(%dma_start3A_8 : memref<6400xi32, #tpu.memory_space<vmem>>) target_semaphore(%arg12 : memref<!tpu.dma_semaphore, #tpu.memory_space<semaphore_mem>>)
    %eq3A = arith.constant 0 : i32
    %eq3A_10 = arith.cmpi eq, %arg1, %eq3A : i32
    %convert_element_type3A = arith.extui %eq3A_10 : i1 to i32
    %cond3A = arith.constant 0 : i32
    %cond3A_11 = arith.cmpi ne, %convert_element_type3A, %cond3A : i32
    scf.if %cond3A_11 {
      "tpu.region"() ({
        %run_scoped3A = tpu.sem_alloc : memref<!tpu.dma_semaphore, #tpu.memory_space<semaphore_mem>>
        tpu.enqueue_dma source(%arg3 : memref<10x128xf32, #tpu.memory_space<hbm>>) target(%arg8 : memref<10x128xf32, #tpu.memory_space<vmem_shared>>) target_semaphore(%run_scoped3A : memref<!tpu.dma_semaphore, #tpu.memory_space<semaphore_mem>>)
        tpu.wait_dma2 semaphore(%run_scoped3A : memref<!tpu.dma_semaphore, #tpu.memory_space<semaphore_mem>>) src(%arg3 : memref<10x128xf32, #tpu.memory_space<hbm>>) dst(%arg8 : memref<10x128xf32, #tpu.memory_space<vmem_shared>>)
        tpu.yield
      }) : () -> ()
    } else {
    }
    %barrier3A = arith.constant 0 : index
    tpu.barrier barrier_id(%barrier3A)
    %dma_wait3A = arith.constant 0 : i32
    %dma_wait3A_12 = tpu.memref_slice %arg6[%dma_wait3A] : memref<6416xi32, #tpu.memory_space<vmem>> -> memref<6400xi32, #tpu.memory_space<vmem>>
    %dma_wait3A_13 = tpu.memref_slice %arg2[%mul3A_4] : memref<204800xi32, #tpu.memory_space<hbm>> -> memref<6400xi32, #tpu.memory_space<hbm>>
    %dma_wait3A_14 = arith.constant 0 : i32
    %dma_wait3A_15 = tpu.memref_slice %arg6[%dma_wait3A_14] : memref<6416xi32, #tpu.memory_space<vmem>> -> memref<6400xi32, #tpu.memory_space<vmem>>
    %dma_wait3A_16 = tpu.memref_slice %arg2[%mul3A_4] : memref<204800xi32, #tpu.memory_space<hbm>> -> memref<6400xi32, #tpu.memory_space<hbm>>
    tpu.wait_dma2 semaphore(%arg12 : memref<!tpu.dma_semaphore, #tpu.memory_space<semaphore_mem>>) src(%dma_wait3A_16 : memref<6400xi32, #tpu.memory_space<hbm>>) dst(%dma_wait3A_15 : memref<6400xi32, #tpu.memory_space<vmem>>)
    %broadcast_in_dim3A = arith.constant 9 : i32
    %broadcast_in_dim3A_17 = vector.broadcast %broadcast_in_dim3A : i32 to vector<16xi32>
    %iota3A = tpu.iota {dimensions = array<i32: 0>} : vector<16xi32>
    %lt3A = arith.constant 2 : i32
    %lt3A_18 = vector.broadcast %lt3A : i32 to vector<16xi32>
    %lt3A_19 = arith.cmpi slt, %iota3A, %lt3A_18 : vector<16xi32>
    %get3A = arith.constant 0 : index
    %get3A_20 = tpu.vector_load %arg6[%get3A] {strides = array<i32>} : memref<6416xi32, #tpu.memory_space<vmem>>, vector<16xi32>,
    %get3A_21 = vector.shape_cast %get3A_20 : vector<16xi32> to vector<16xi32>
    %swap3A = arith.constant 0 : i32
    %swap3A_22 = arith.index_cast %swap3A : i32 to index
    %swap3A_23 = arith.constant 0 : index
    %swap3A_24 = tpu.vector_load %arg7[%swap3A_22, %swap3A_23] {strides = array<i32>} : memref<128x128xi32, #tpu.memory_space<vmem>>, vector<1x16xi32>,
    %swap3A_25 = vector.shape_cast %swap3A_24 : vector<1x16xi32> to vector<16xi32>
    %swap3A_26 = vector.shape_cast %get3A_21 : vector<16xi32> to vector<1x16xi32>
    tpu.vector_store %arg7[%swap3A_22, %swap3A_23], %swap3A_26 {strides = array<i32>} : memref<128x128xi32, #tpu.memory_space<vmem>>, vector<1x16xi32>,
    %get3A_27 = arith.constant 16 : index
    %get3A_28 = tpu.vector_load %arg6[%get3A_27] {strides = array<i32>} : memref<6416xi32, #tpu.memory_space<vmem>>, vector<16xi32>,
    %get3A_29 = vector.shape_cast %get3A_28 : vector<16xi32> to vector<16xi32>
    %swap3A_30 = arith.constant 0 : i32
    %swap3A_31 = arith.index_cast %swap3A_30 : i32 to index
    %swap3A_32 = arith.constant 16 : index
    %swap3A_33 = tpu.vector_load %arg7[%swap3A_31, %swap3A_32] {strides = array<i32>} : memref<128x128xi32, #tpu.memory_space<vmem>>, vector<1x16xi32>,
    %swap3A_34 = vector.shape_cast %swap3A_33 : vector<1x16xi32> to vector<16xi32>
    %swap3A_35 = vector.shape_cast %get3A_29 : vector<16xi32> to vector<1x16xi32>
    tpu.vector_store %arg7[%swap3A_31, %swap3A_32], %swap3A_35 {strides = array<i32>} : memref<128x128xi32, #tpu.memory_space<vmem>>, vector<1x16xi32>,
    %get3A_36 = arith.constant 32 : index
    %get3A_37 = tpu.vector_load %arg6[%get3A_36] {strides = array<i32>} : memref<6416xi32, #tpu.memory_space<vmem>>, vector<16xi32>,
    %get3A_38 = vector.shape_cast %get3A_37 : vector<16xi32> to vector<16xi32>
    %swap3A_39 = arith.constant 0 : i32
    %swap3A_40 = arith.index_cast %swap3A_39 : i32 to index
    %swap3A_41 = arith.constant 32 : index
    %swap3A_42 = tpu.vector_load %arg7[%swap3A_40, %swap3A_41] {strides = array<i32>} : memref<128x128xi32, #tpu.memory_space<vmem>>, vector<1x16xi32>,
    %swap3A_43 = vector.shape_cast %swap3A_42 : vector<1x16xi32> to vector<16xi32>
    %swap3A_44 = vector.shape_cast %get3A_38 : vector<16xi32> to vector<1x16xi32>
    tpu.vector_store %arg7[%swap3A_40, %swap3A_41], %swap3A_44 {strides = array<i32>} : memref<128x128xi32, #tpu.memory_space<vmem>>, vector<1x16xi32>,
    %get3A_45 = arith.constant 48 : index
    %get3A_46 = tpu.vector_load %arg6[%get3A_45] {strides = array<i32>} : memref<6416xi32, #tpu.memory_space<vmem>>, vector<16xi32>,
    %get3A_47 = vector.shape_cast %get3A_46 : vector<16xi32> to vector<16xi32>
    %select_n3A = arith.select %lt3A_19, %get3A_47, %broadcast_in_dim3A_17 : vector<16xi1>, vector<16xi32>
    %swap3A_48 = arith.constant 0 : i32
    %swap3A_49 = arith.index_cast %swap3A_48 : i32 to index
    %swap3A_50 = arith.constant 48 : index
    %swap3A_51 = tpu.vector_load %arg7[%swap3A_49, %swap3A_50] {strides = array<i32>} : memref<128x128xi32, #tpu.memory_space<vmem>>, vector<1x16xi32>,
    %swap3A_52 = vector.shape_cast %swap3A_51 : vector<1x16xi32> to vector<16xi32>
    %swap3A_53 = vector.shape_cast %select_n3A : vector<16xi32> to vector<1x16xi32>
    tpu.vector_store %arg7[%swap3A_49, %swap3A_50], %swap3A_53 {strides = array<i32>} : memref<128x128xi32, #tpu.memory_space<vmem>>, vector<1x16xi32>,
    %swap3A_54 = arith.constant 0 : i32
    %swap3A_55 = arith.index_cast %swap3A_54 : i32 to index
    %swap3A_56 = arith.constant 64 : index
    %swap3A_57 = tpu.vector_load %arg7[%swap3A_55, %swap3A_56] {strides = array<i32>} : memref<128x128xi32, #tpu.memory_space<vmem>>, vector<1x16xi32>,
    %swap3A_58 = vector.shape_cast %swap3A_57 : vector<1x16xi32> to vector<16xi32>
    %swap3A_59 = vector.shape_cast %broadcast_in_dim3A_17 : vector<16xi32> to vector<1x16xi32>
    tpu.vector_store %arg7[%swap3A_55, %swap3A_56], %swap3A_59 {strides = array<i32>} : memref<128x128xi32, #tpu.memory_space<vmem>>, vector<1x16xi32>,
    %swap3A_60 = arith.constant 0 : i32
    %swap3A_61 = arith.index_cast %swap3A_60 : i32 to index
    %swap3A_62 = arith.constant 80 : index
    %swap3A_63 = tpu.vector_load %arg7[%swap3A_61, %swap3A_62] {strides = array<i32>} : memref<128x128xi32, #tpu.memory_space<vmem>>, vector<1x16xi32>,
    %swap3A_64 = vector.shape_cast %swap3A_63 : vector<1x16xi32> to vector<16xi32>
    %swap3A_65 = vector.shape_cast %broadcast_in_dim3A_17 : vector<16xi32> to vector<1x16xi32>
    tpu.vector_store %arg7[%swap3A_61, %swap3A_62], %swap3A_65 {strides = array<i32>} : memref<128x128xi32, #tpu.memory_space<vmem>>, vector<1x16xi32>,
    %swap3A_66 = arith.constant 0 : i32
    %swap3A_67 = arith.index_cast %swap3A_66 : i32 to index
    %swap3A_68 = arith.constant 96 : index
    %swap3A_69 = tpu.vector_load %arg7[%swap3A_67, %swap3A_68] {strides = array<i32>} : memref<128x128xi32, #tpu.memory_space<vmem>>, vector<1x16xi32>,
    %swap3A_70 = vector.shape_cast %swap3A_69 : vector<1x16xi32> to vector<16xi32>
    %swap3A_71 = vector.shape_cast %broadcast_in_dim3A_17 : vector<16xi32> to vector<1x16xi32>
    tpu.vector_store %arg7[%swap3A_67, %swap3A_68], %swap3A_71 {strides = array<i32>} : memref<128x128xi32, #tpu.memory_space<vmem>>, vector<1x16xi32>,
    %swap3A_72 = arith.constant 0 : i32
    %swap3A_73 = arith.index_cast %swap3A_72 : i32 to index
    %swap3A_74 = arith.constant 112 : index
    %swap3A_75 = tpu.vector_load %arg7[%swap3A_73, %swap3A_74] {strides = array<i32>} : memref<128x128xi32, #tpu.memory_space<vmem>>, vector<1x16xi32>,
    %swap3A_76 = vector.shape_cast %swap3A_75 : vector<1x16xi32> to vector<16xi32>
    %swap3A_77 = vector.shape_cast %broadcast_in_dim3A_17 : vector<16xi32> to vector<1x16xi32>
    tpu.vector_store %arg7[%swap3A_73, %swap3A_74], %swap3A_77 {strides = array<i32>} : memref<128x128xi32, #tpu.memory_space<vmem>>, vector<1x16xi32>,
    %dma_start3A_78 = arith.constant 0 : i32
    %dma_start3A_79 = arith.constant 0 : i32
    %dma_start3A_80 = arith.constant 0 : i32
    %dma_start3A_81 = arith.constant 50 : i32
    %dma_start3A_82 = arith.constant 0 : i32
    %dma_start3A_83 = tpu.memref_slice %arg9[%dma_start3A_79, %dma_start3A_80, %dma_start3A_81, %dma_start3A_82] : memref<3x2x128x128xf32, #tpu.memory_space<vmem>> -> memref<1x1x78x128xf32, #tpu.memory_space<vmem>>
    %dma_start3A_84 = tpu.memref_squeeze %dma_start3A_83 : memref<1x1x78x128xf32, #tpu.memory_space<vmem>> -> memref<78x128xf32, #tpu.memory_space<vmem>>
    %dma_start3A_85 = arith.constant 50 : i32
    %dma_start3A_86 = tpu.memref_slice %arg7[%dma_start3A_78, %dma_start3A_85] : memref<128x128xi32, #tpu.memory_space<vmem>> -> memref<1x78xi32, #tpu.memory_space<vmem>>
    %dma_start3A_87 = tpu.memref_squeeze %dma_start3A_86 : memref<1x78xi32, #tpu.memory_space<vmem>> -> memref<78xi32, #tpu.memory_space<vmem>>
    %dma_start3A_88 = arith.constant 0 : i32
    %dma_start3A_89 = arith.constant 0 : i32
    %dma_start3A_90 = tpu.memref_slice %arg8[%dma_start3A_88, %dma_start3A_89] : memref<10x128xf32, #tpu.memory_space<vmem_shared>> -> memref<10x128xf32, #tpu.memory_space<vmem_shared>>
    tpu.enqueue_indirect_dma source(%dma_start3A_90 : memref<10x128xf32, #tpu.memory_space<vmem_shared>>) target(%dma_start3A_84 : memref<78x128xf32, #tpu.memory_space<vmem>>) offsets(%dma_start3A_87 : memref<78xi32, #tpu.memory_space<vmem>>) semaphore(%arg11 : memref<!tpu.dma_semaphore, #tpu.memory_space<semaphore_mem>>)
    %dma_start3A_91 = arith.constant 0 : i32
    %dma_start3A_92 = arith.constant 0 : i32
    %dma_start3A_93 = arith.constant 1 : i32
    %dma_start3A_94 = arith.constant 50 : i32
    %dma_start3A_95 = arith.constant 0 : i32
    %dma_start3A_96 = tpu.memref_slice %arg9[%dma_start3A_92, %dma_start3A_93, %dma_start3A_94, %dma_start3A_95] : memref<3x2x128x128xf32, #tpu.memory_space<vmem>> -> memref<1x1x78x128xf32, #tpu.memory_space<vmem>>
    %dma_start3A_97 = tpu.memref_squeeze %dma_start3A_96 : memref<1x1x78x128xf32, #tpu.memory_space<vmem>> -> memref<78x128xf32, #tpu.memory_space<vmem>>
    %dma_start3A_98 = arith.constant 50 : i32
    %dma_start3A_99 = tpu.memref_slice %arg7[%dma_start3A_91, %dma_start3A_98] : memref<128x128xi32, #tpu.memory_space<vmem>> -> memref<1x78xi32, #tpu.memory_space<vmem>>
    %dma_start3A_100 = tpu.memref_squeeze %dma_start3A_99 : memref<1x78xi32, #tpu.memory_space<vmem>> -> memref<78xi32, #tpu.memory_space<vmem>>
    %dma_start3A_101 = arith.constant 0 : i32
    %dma_start3A_102 = arith.constant 0 : i32
    %dma_start3A_103 = tpu.memref_slice %arg8[%dma_start3A_101, %dma_start3A_102] : memref<10x128xf32, #tpu.memory_space<vmem_shared>> -> memref<10x128xf32, #tpu.memory_space<vmem_shared>>
    tpu.enqueue_indirect_dma source(%dma_start3A_103 : memref<10x128xf32, #tpu.memory_space<vmem_shared>>) target(%dma_start3A_97 : memref<78x128xf32, #tpu.memory_space<vmem>>) offsets(%dma_start3A_100 : memref<78xi32, #tpu.memory_space<vmem>>) semaphore(%arg11 : memref<!tpu.dma_semaphore, #tpu.memory_space<semaphore_mem>>)
    %dma_start3A_104 = arith.constant 0 : i32
    %dma_start3A_105 = arith.constant 1 : i32
    %dma_start3A_106 = arith.constant 0 : i32
    %dma_start3A_107 = arith.constant 50 : i32
    %dma_start3A_108 = arith.constant 0 : i32
    %dma_start3A_109 = tpu.memref_slice %arg9[%dma_start3A_105, %dma_start3A_106, %dma_start3A_107, %dma_start3A_108] : memref<3x2x128x128xf32, #tpu.memory_space<vmem>> -> memref<1x1x78x128xf32, #tpu.memory_space<vmem>>
    %dma_start3A_110 = tpu.memref_squeeze %dma_start3A_109 : memref<1x1x78x128xf32, #tpu.memory_space<vmem>> -> memref<78x128xf32, #tpu.memory_space<vmem>>
    %dma_start3A_111 = arith.constant 50 : i32
    %dma_start3A_112 = tpu.memref_slice %arg7[%dma_start3A_104, %dma_start3A_111] : memref<128x128xi32, #tpu.memory_space<vmem>> -> memref<1x78xi32, #tpu.memory_space<vmem>>
    %dma_start3A_113 = tpu.memref_squeeze %dma_start3A_112 : memref<1x78xi32, #tpu.memory_space<vmem>> -> memref<78xi32, #tpu.memory_space<vmem>>
    %dma_start3A_114 = arith.constant 0 : i32
    %dma_start3A_115 = arith.constant 0 : i32
    %dma_start3A_116 = tpu.memref_slice %arg8[%dma_start3A_114, %dma_start3A_115] : memref<10x128xf32, #tpu.memory_space<vmem_shared>> -> memref<10x128xf32, #tpu.memory_space<vmem_shared>>
    tpu.enqueue_indirect_dma source(%dma_start3A_116 : memref<10x128xf32, #tpu.memory_space<vmem_shared>>) target(%dma_start3A_110 : memref<78x128xf32, #tpu.memory_space<vmem>>) offsets(%dma_start3A_113 : memref<78xi32, #tpu.memory_space<vmem>>) semaphore(%arg11 : memref<!tpu.dma_semaphore, #tpu.memory_space<semaphore_mem>>)
    %dma_start3A_117 = arith.constant 0 : i32
    %dma_start3A_118 = arith.constant 1 : i32
    %dma_start3A_119 = arith.constant 1 : i32
    %dma_start3A_120 = arith.constant 50 : i32
    %dma_start3A_121 = arith.constant 0 : i32
    %dma_start3A_122 = tpu.memref_slice %arg9[%dma_start3A_118, %dma_start3A_119, %dma_start3A_120, %dma_start3A_121] : memref<3x2x128x128xf32, #tpu.memory_space<vmem>> -> memref<1x1x78x128xf32, #tpu.memory_space<vmem>>
    %dma_start3A_123 = tpu.memref_squeeze %dma_start3A_122 : memref<1x1x78x128xf32, #tpu.memory_space<vmem>> -> memref<78x128xf32, #tpu.memory_space<vmem>>
    %dma_start3A_124 = arith.constant 50 : i32
    %dma_start3A_125 = tpu.memref_slice %arg7[%dma_start3A_117, %dma_start3A_124] : memref<128x128xi32, #tpu.memory_space<vmem>> -> memref<1x78xi32, #tpu.memory_space<vmem>>
    %dma_start3A_126 = tpu.memref_squeeze %dma_start3A_125 : memref<1x78xi32, #tpu.memory_space<vmem>> -> memref<78xi32, #tpu.memory_space<vmem>>
    %dma_start3A_127 = arith.constant 0 : i32
    %dma_start3A_128 = arith.constant 0 : i32
    %dma_start3A_129 = tpu.memref_slice %arg8[%dma_start3A_127, %dma_start3A_128] : memref<10x128xf32, #tpu.memory_space<vmem_shared>> -> memref<10x128xf32, #tpu.memory_space<vmem_shared>>
    tpu.enqueue_indirect_dma source(%dma_start3A_129 : memref<10x128xf32, #tpu.memory_space<vmem_shared>>) target(%dma_start3A_123 : memref<78x128xf32, #tpu.memory_space<vmem>>) offsets(%dma_start3A_126 : memref<78xi32, #tpu.memory_space<vmem>>) semaphore(%arg11 : memref<!tpu.dma_semaphore, #tpu.memory_space<semaphore_mem>>)
    %dma_start3A_130 = arith.constant 0 : i32
    %dma_start3A_131 = arith.constant 2 : i32
    %dma_start3A_132 = arith.constant 0 : i32
    %dma_start3A_133 = arith.constant 50 : i32
    %dma_start3A_134 = arith.constant 0 : i32
    %dma_start3A_135 = tpu.memref_slice %arg9[%dma_start3A_131, %dma_start3A_132, %dma_start3A_133, %dma_start3A_134] : memref<3x2x128x128xf32, #tpu.memory_space<vmem>> -> memref<1x1x78x128xf32, #tpu.memory_space<vmem>>
    %dma_start3A_136 = tpu.memref_squeeze %dma_start3A_135 : memref<1x1x78x128xf32, #tpu.memory_space<vmem>> -> memref<78x128xf32, #tpu.memory_space<vmem>>
    %dma_start3A_137 = arith.constant 50 : i32
    %dma_start3A_138 = tpu.memref_slice %arg7[%dma_start3A_130, %dma_start3A_137] : memref<128x128xi32, #tpu.memory_space<vmem>> -> memref<1x78xi32, #tpu.memory_space<vmem>>
    %dma_start3A_139 = tpu.memref_squeeze %dma_start3A_138 : memref<1x78xi32, #tpu.memory_space<vmem>> -> memref<78xi32, #tpu.memory_space<vmem>>
    %dma_start3A_140 = arith.constant 0 : i32
    %dma_start3A_141 = arith.constant 0 : i32
    %dma_start3A_142 = tpu.memref_slice %arg8[%dma_start3A_140, %dma_start3A_141] : memref<10x128xf32, #tpu.memory_space<vmem_shared>> -> memref<10x128xf32, #tpu.memory_space<vmem_shared>>
    tpu.enqueue_indirect_dma source(%dma_start3A_142 : memref<10x128xf32, #tpu.memory_space<vmem_shared>>) target(%dma_start3A_136 : memref<78x128xf32, #tpu.memory_space<vmem>>) offsets(%dma_start3A_139 : memref<78xi32, #tpu.memory_space<vmem>>) semaphore(%arg11 : memref<!tpu.dma_semaphore, #tpu.memory_space<semaphore_mem>>)
    %dma_start3A_143 = arith.constant 0 : i32
    %dma_start3A_144 = arith.constant 2 : i32
    %dma_start3A_145 = arith.constant 1 : i32
    %dma_start3A_146 = arith.constant 50 : i32
    %dma_start3A_147 = arith.constant 0 : i32
    %dma_start3A_148 = tpu.memref_slice %arg9[%dma_start3A_144, %dma_start3A_145, %dma_start3A_146, %dma_start3A_147] : memref<3x2x128x128xf32, #tpu.memory_space<vmem>> -> memref<1x1x78x128xf32, #tpu.memory_space<vmem>>
    %dma_start3A_149 = tpu.memref_squeeze %dma_start3A_148 : memref<1x1x78x128xf32, #tpu.memory_space<vmem>> -> memref<78x128xf32, #tpu.memory_space<vmem>>
    %dma_start3A_150 = arith.constant 50 : i32
    %dma_start3A_151 = tpu.memref_slice %arg7[%dma_start3A_143, %dma_start3A_150] : memref<128x128xi32, #tpu.memory_space<vmem>> -> memref<1x78xi32, #tpu.memory_space<vmem>>
    %dma_start3A_152 = tpu.memref_squeeze %dma_start3A_151 : memref<1x78xi32, #tpu.memory_space<vmem>> -> memref<78xi32, #tpu.memory_space<vmem>>
    %dma_start3A_153 = arith.constant 0 : i32
    %dma_start3A_154 = arith.constant 0 : i32
    %dma_start3A_155 = tpu.memref_slice %arg8[%dma_start3A_153, %dma_start3A_154] : memref<10x128xf32, #tpu.memory_space<vmem_shared>> -> memref<10x128xf32, #tpu.memory_space<vmem_shared>>
    tpu.enqueue_indirect_dma source(%dma_start3A_155 : memref<10x128xf32, #tpu.memory_space<vmem_shared>>) target(%dma_start3A_149 : memref<78x128xf32, #tpu.memory_space<vmem>>) offsets(%dma_start3A_152 : memref<78xi32, #tpu.memory_space<vmem>>) semaphore(%arg11 : memref<!tpu.dma_semaphore, #tpu.memory_space<semaphore_mem>>)
    %dma_start3A_156 = arith.constant 0 : i32
    %dma_start3A_157 = arith.constant 0 : i32
    %dma_start3A_158 = arith.constant 0 : i32
    %dma_start3A_159 = arith.constant 0 : i32
    %dma_start3A_160 = arith.constant 0 : i32
    %dma_start3A_161 = tpu.memref_slice %arg9[%dma_start3A_157, %dma_start3A_158, %dma_start3A_159, %dma_start3A_160] : memref<3x2x128x128xf32, #tpu.memory_space<vmem>> -> memref<1x1x50x128xf32, #tpu.memory_space<vmem>>
    %dma_start3A_162 = tpu.memref_squeeze %dma_start3A_161 : memref<1x1x50x128xf32, #tpu.memory_space<vmem>> -> memref<50x128xf32, #tpu.memory_space<vmem>>
    %dma_start3A_163 = arith.constant 0 : i32
    %dma_start3A_164 = tpu.memref_slice %arg7[%dma_start3A_156, %dma_start3A_163] : memref<128x128xi32, #tpu.memory_space<vmem>> -> memref<1x50xi32, #tpu.memory_space<vmem>>
    %dma_start3A_165 = tpu.memref_squeeze %dma_start3A_164 : memref<1x50xi32, #tpu.memory_space<vmem>> -> memref<50xi32, #tpu.memory_space<vmem>>
    %dma_start3A_166 = arith.constant 0 : i32
    %dma_start3A_167 = arith.constant 0 : i32
    %dma_start3A_168 = tpu.memref_slice %arg8[%dma_start3A_166, %dma_start3A_167] : memref<10x128xf32, #tpu.memory_space<vmem_shared>> -> memref<10x128xf32, #tpu.memory_space<vmem_shared>>
    tpu.enqueue_indirect_dma source(%dma_start3A_168 : memref<10x128xf32, #tpu.memory_space<vmem_shared>>) target(%dma_start3A_162 : memref<50x128xf32, #tpu.memory_space<vmem>>) offsets(%dma_start3A_165 : memref<50xi32, #tpu.memory_space<vmem>>) semaphore(%arg10 : memref<!tpu.dma_semaphore, #tpu.memory_space<semaphore_mem>>)
    %get3A_169 = arith.constant 50 : index
    %get3A_170 = tpu.vector_load %arg6[%get3A_169] {strides = array<i32>} : memref<6416xi32, #tpu.memory_space<vmem>>, vector<16xi32>,
    %get3A_171 = vector.shape_cast %get3A_170 : vector<16xi32> to vector<16xi32>
    %swap3A_172 = arith.constant 1 : i32
    %swap3A_173 = arith.index_cast %swap3A_172 : i32 to index
    %swap3A_174 = arith.constant 0 : index
    %swap3A_175 = tpu.vector_load %arg7[%swap3A_173, %swap3A_174] {strides = array<i32>} : memref<128x128xi32, #tpu.memory_space<vmem>>, vector<1x16xi32>,
    %swap3A_176 = vector.shape_cast %swap3A_175 : vector<1x16xi32> to vector<16xi32>
    %swap3A_177 = vector.shape_cast %get3A_171 : vector<16xi32> to vector<1x16xi32>
    tpu.vector_store %arg7[%swap3A_173, %swap3A_174], %swap3A_177 {strides = array<i32>} : memref<128x128xi32, #tpu.memory_space<vmem>>, vector<1x16xi32>,
    %get3A_178 = arith.constant 66 : index
    %get3A_179 = tpu.vector_load %arg6[%get3A_178] {strides = array<i32>} : memref<6416xi32, #tpu.memory_space<vmem>>, vector<16xi32>,
    %get3A_180 = vector.shape_cast %get3A_179 : vector<16xi32> to vector<16xi32>
    %swap3A_181 = arith.constant 1 : i32
    %swap3A_182 = arith.index_cast %swap3A_181 : i32 to index
    %swap3A_183 = arith.constant 16 : index
    %swap3A_184 = tpu.vector_load %arg7[%swap3A_182, %swap3A_183] {strides = array<i32>} : memref<128x128xi32, #tpu.memory_space<vmem>>, vector<1x16xi32>,
    %swap3A_185 = vector.shape_cast %swap3A_184 : vector<1x16xi32> to vector<16xi32>
    %swap3A_186 = vector.shape_cast %get3A_180 : vector<16xi32> to vector<1x16xi32>
    tpu.vector_store %arg7[%swap3A_182, %swap3A_183], %swap3A_186 {strides = array<i32>} : memref<128x128xi32, #tpu.memory_space<vmem>>, vector<1x16xi32>,
    %get3A_187 = arith.constant 82 : index
    %get3A_188 = tpu.vector_load %arg6[%get3A_187] {strides = array<i32>} : memref<6416xi32, #tpu.memory_space<vmem>>, vector<16xi32>,
    %get3A_189 = vector.shape_cast %get3A_188 : vector<16xi32> to vector<16xi32>
    %swap3A_190 = arith.constant 1 : i32
    %swap3A_191 = arith.index_cast %swap3A_190 : i32 to index
    %swap3A_192 = arith.constant 32 : index
    %swap3A_193 = tpu.vector_load %arg7[%swap3A_191, %swap3A_192] {strides = array<i32>} : memref<128x128xi32, #tpu.memory_space<vmem>>, vector<1x16xi32>,
    %swap3A_194 = vector.shape_cast %swap3A_193 : vector<1x16xi32> to vector<16xi32>
    %swap3A_195 = vector.shape_cast %get3A_189 : vector<16xi32> to vector<1x16xi32>
    tpu.vector_store %arg7[%swap3A_191, %swap3A_192], %swap3A_195 {strides = array<i32>} : memref<128x128xi32, #tpu.memory_space<vmem>>, vector<1x16xi32>,
    %get3A_196 = arith.constant 98 : index
    %get3A_197 = tpu.vector_load %arg6[%get3A_196] {strides = array<i32>} : memref<6416xi32, #tpu.memory_space<vmem>>, vector<16xi32>,
    %get3A_198 = vector.shape_cast %get3A_197 : vector<16xi32> to vector<16xi32>
    %select_n3A_199 = arith.select %lt3A_19, %get3A_198, %broadcast_in_dim3A_17 : vector<16xi1>, vector<16xi32>
    %swap3A_200 = arith.constant 1 : i32
    %swap3A_201 = arith.index_cast %swap3A_200 : i32 to index
    %swap3A_202 = arith.constant 48 : index
    %swap3A_203 = tpu.vector_load %arg7[%swap3A_201, %swap3A_202] {strides = array<i32>} : memref<128x128xi32, #tpu.memory_space<vmem>>, vector<1x16xi32>,
    %swap3A_204 = vector.shape_cast %swap3A_203 : vector<1x16xi32> to vector<16xi32>
    %swap3A_205 = vector.shape_cast %select_n3A_199 : vector<16xi32> to vector<1x16xi32>
    tpu.vector_store %arg7[%swap3A_201, %swap3A_202], %swap3A_205 {strides = array<i32>} : memref<128x128xi32, #tpu.memory_space<vmem>>, vector<1x16xi32>,
    %swap3A_206 = arith.constant 1 : i32
    %swap3A_207 = arith.index_cast %swap3A_206 : i32 to index
    %swap3A_208 = arith.constant 64 : index
    %swap3A_209 = tpu.vector_load %arg7[%swap3A_207, %swap3A_208] {strides = array<i32>} : memref<128x128xi32, #tpu.memory_space<vmem>>, vector<1x16xi32>,
    %swap3A_210 = vector.shape_cast %swap3A_209 : vector<1x16xi32> to vector<16xi32>
    %swap3A_211 = vector.shape_cast %broadcast_in_dim3A_17 : vector<16xi32> to vector<1x16xi32>
    tpu.vector_store %arg7[%swap3A_207, %swap3A_208], %swap3A_211 {strides = array<i32>} : memref<128x128xi32, #tpu.memory_space<vmem>>, vector<1x16xi32>,
    %swap3A_212 = arith.constant 1 : i32
    %swap3A_213 = arith.index_cast %swap3A_212 : i32 to index
    %swap3A_214 = arith.constant 80 : index
    %swap3A_215 = tpu.vector_load %arg7[%swap3A_213, %swap3A_214] {strides = array<i32>} : memref<128x128xi32, #tpu.memory_space<vmem>>, vector<1x16xi32>,
    %swap3A_216 = vector.shape_cast %swap3A_215 : vector<1x16xi32> to vector<16xi32>
    %swap3A_217 = vector.shape_cast %broadcast_in_dim3A_17 : vector<16xi32> to vector<1x16xi32>
    tpu.vector_store %arg7[%swap3A_213, %swap3A_214], %swap3A_217 {strides = array<i32>} : memref<128x128xi32, #tpu.memory_space<vmem>>, vector<1x16xi32>,
    %swap3A_218 = arith.constant 1 : i32
    %swap3A_219 = arith.index_cast %swap3A_218 : i32 to index
    %swap3A_220 = arith.constant 96 : index
    %swap3A_221 = tpu.vector_load %arg7[%swap3A_219, %swap3A_220] {strides = array<i32>} : memref<128x128xi32, #tpu.memory_space<vmem>>, vector<1x16xi32>,
    %swap3A_222 = vector.shape_cast %swap3A_221 : vector<1x16xi32> to vector<16xi32>
    %swap3A_223 = vector.shape_cast %broadcast_in_dim3A_17 : vector<16xi32> to vector<1x16xi32>
    tpu.vector_store %arg7[%swap3A_219, %swap3A_220], %swap3A_223 {strides = array<i32>} : memref<128x128xi32, #tpu.memory_space<vmem>>, vector<1x16xi32>,
    %swap3A_224 = arith.constant 1 : i32
    %swap3A_225 = arith.index_cast %swap3A_224 : i32 to index
    %swap3A_226 = arith.constant 112 : index
    %swap3A_227 = tpu.vector_load %arg7[%swap3A_225, %swap3A_226] {strides = array<i32>} : memref<128x128xi32, #tpu.memory_space<vmem>>, vector<1x16xi32>,
    %swap3A_228 = vector.shape_cast %swap3A_227 : vector<1x16xi32> to vector<16xi32>
    %swap3A_229 = vector.shape_cast %broadcast_in_dim3A_17 : vector<16xi32> to vector<1x16xi32>
    tpu.vector_store %arg7[%swap3A_225, %swap3A_226], %swap3A_229 {strides = array<i32>} : memref<128x128xi32, #tpu.memory_space<vmem>>, vector<1x16xi32>,
    %dma_start3A_230 = arith.constant 1 : i32
    %dma_start3A_231 = arith.constant 0 : i32
    %dma_start3A_232 = arith.constant 1 : i32
    %dma_start3A_233 = arith.constant 0 : i32
    %dma_start3A_234 = arith.constant 0 : i32
    %dma_start3A_235 = tpu.memref_slice %arg9[%dma_start3A_231, %dma_start3A_232, %dma_start3A_233, %dma_start3A_234] : memref<3x2x128x128xf32, #tpu.memory_space<vmem>> -> memref<1x1x50x128xf32, #tpu.memory_space<vmem>>
    %dma_start3A_236 = tpu.memref_squeeze %dma_start3A_235 : memref<1x1x50x128xf32, #tpu.memory_space<vmem>> -> memref<50x128xf32, #tpu.memory_space<vmem>>
    %dma_start3A_237 = arith.constant 0 : i32
    %dma_start3A_238 = tpu.memref_slice %arg7[%dma_start3A_230, %dma_start3A_237] : memref<128x128xi32, #tpu.memory_space<vmem>> -> memref<1x50xi32, #tpu.memory_space<vmem>>
    %dma_start3A_239 = tpu.memref_squeeze %dma_start3A_238 : memref<1x50xi32, #tpu.memory_space<vmem>> -> memref<50xi32, #tpu.memory_space<vmem>>
    %dma_start3A_240 = arith.constant 0 : i32
    %dma_start3A_241 = arith.constant 0 : i32
    %dma_start3A_242 = tpu.memref_slice %arg8[%dma_start3A_240, %dma_start3A_241] : memref<10x128xf32, #tpu.memory_space<vmem_shared>> -> memref<10x128xf32, #tpu.memory_space<vmem_shared>>
    tpu.enqueue_indirect_dma source(%dma_start3A_242 : memref<10x128xf32, #tpu.memory_space<vmem_shared>>) target(%dma_start3A_236 : memref<50x128xf32, #tpu.memory_space<vmem>>) offsets(%dma_start3A_239 : memref<50xi32, #tpu.memory_space<vmem>>) semaphore(%arg10 : memref<!tpu.dma_semaphore, #tpu.memory_space<semaphore_mem>>)
    %get3A_243 = arith.constant 100 : index
    %get3A_244 = tpu.vector_load %arg6[%get3A_243] {strides = array<i32>} : memref<6416xi32, #tpu.memory_space<vmem>>, vector<16xi32>,
    %get3A_245 = vector.shape_cast %get3A_244 : vector<16xi32> to vector<16xi32>
    %swap3A_246 = arith.constant 2 : i32
    %swap3A_247 = arith.index_cast %swap3A_246 : i32 to index
    %swap3A_248 = arith.constant 0 : index
    %swap3A_249 = tpu.vector_load %arg7[%swap3A_247, %swap3A_248] {strides = array<i32>} : memref<128x128xi32, #tpu.memory_space<vmem>>, vector<1x16xi32>,
    %swap3A_250 = vector.shape_cast %swap3A_249 : vector<1x16xi32> to vector<16xi32>
    %swap3A_251 = vector.shape_cast %get3A_245 : vector<16xi32> to vector<1x16xi32>
    tpu.vector_store %arg7[%swap3A_247, %swap3A_248], %swap3A_251 {strides = array<i32>} : memref<128x128xi32, #tpu.memory_space<vmem>>, vector<1x16xi32>,
    %get3A_252 = arith.constant 116 : index
    %get3A_253 = tpu.vector_load %arg6[%get3A_252] {strides = array<i32>} : memref<6416xi32, #tpu.memory_space<vmem>>, vector<16xi32>,
    %get3A_254 = vector.shape_cast %get3A_253 : vector<16xi32> to vector<16xi32>
    %swap3A_255 = arith.constant 2 : i32
    %swap3A_256 = arith.index_cast %swap3A_255 : i32 to index
    %swap3A_257 = arith.constant 16 : index
    %swap3A_258 = tpu.vector_load %arg7[%swap3A_256, %swap3A_257] {strides = array<i32>} : memref<128x128xi32, #tpu.memory_space<vmem>>, vector<1x16xi32>,
    %swap3A_259 = vector.shape_cast %swap3A_258 : vector<1x16xi32> to vector<16xi32>
    %swap3A_260 = vector.shape_cast %get3A_254 : vector<16xi32> to vector<1x16xi32>
    tpu.vector_store %arg7[%swap3A_256, %swap3A_257], %swap3A_260 {strides = array<i32>} : memref<128x128xi32, #tpu.memory_space<vmem>>, vector<1x16xi32>,
    %get3A_261 = arith.constant 132 : index
    %get3A_262 = tpu.vector_load %arg6[%get3A_261] {strides = array<i32>} : memref<6416xi32, #tpu.memory_space<vmem>>, vector<16xi32>,
    %get3A_263 = vector.shape_cast %get3A_262 : vector<16xi32> to vector<16xi32>
    %swap3A_264 = arith.constant 2 : i32
    %swap3A_265 = arith.index_cast %swap3A_264 : i32 to index
    %swap3A_266 = arith.constant 32 : index
    %swap3A_267 = tpu.vector_load %arg7[%swap3A_265, %swap3A_266] {strides = array<i32>} : memref<128x128xi32, #tpu.memory_space<vmem>>, vector<1x16xi32>,
    %swap3A_268 = vector.shape_cast %swap3A_267 : vector<1x16xi32> to vector<16xi32>
    %swap3A_269 = vector.shape_cast %get3A_263 : vector<16xi32> to vector<1x16xi32>
    tpu.vector_store %arg7[%swap3A_265, %swap3A_266], %swap3A_269 {strides = array<i32>} : memref<128x128xi32, #tpu.memory_space<vmem>>, vector<1x16xi32>,
    %get3A_270 = arith.constant 148 : index
    %get3A_271 = tpu.vector_load %arg6[%get3A_270] {strides = array<i32>} : memref<6416xi32, #tpu.memory_space<vmem>>, vector<16xi32>,
    %get3A_272 = vector.shape_cast %get3A_271 : vector<16xi32> to vector<16xi32>
    %select_n3A_273 = arith.select %lt3A_19, %get3A_272, %broadcast_in_dim3A_17 : vector<16xi1>, vector<16xi32>
    %swap3A_274 = arith.constant 2 : i32
    %swap3A_275 = arith.index_cast %swap3A_274 : i32 to index
    %swap3A_276 = arith.constant 48 : index
    %swap3A_277 = tpu.vector_load %arg7[%swap3A_275, %swap3A_276] {strides = array<i32>} : memref<128x128xi32, #tpu.memory_space<vmem>>, vector<1x16xi32>,
    %swap3A_278 = vector.shape_cast %swap3A_277 : vector<1x16xi32> to vector<16xi32>
    %swap3A_279 = vector.shape_cast %select_n3A_273 : vector<16xi32> to vector<1x16xi32>
    tpu.vector_store %arg7[%swap3A_275, %swap3A_276], %swap3A_279 {strides = array<i32>} : memref<128x128xi32, #tpu.memory_space<vmem>>, vector<1x16xi32>,
    %swap3A_280 = arith.constant 2 : i32
    %swap3A_281 = arith.index_cast %swap3A_280 : i32 to index
    %swap3A_282 = arith.constant 64 : index
    %swap3A_283 = tpu.vector_load %arg7[%swap3A_281, %swap3A_282] {strides = array<i32>} : memref<128x128xi32, #tpu.memory_space<vmem>>, vector<1x16xi32>,
    %swap3A_284 = vector.shape_cast %swap3A_283 : vector<1x16xi32> to vector<16xi32>
    %swap3A_285 = vector.shape_cast %broadcast_in_dim3A_17 : vector<16xi32> to vector<1x16xi32>
    tpu.vector_store %arg7[%swap3A_281, %swap3A_282], %swap3A_285 {strides = array<i32>} : memref<128x128xi32, #tpu.memory_space<vmem>>, vector<1x16xi32>,
    %swap3A_286 = arith.constant 2 : i32
    %swap3A_287 = arith.index_cast %swap3A_286 : i32 to index
    %swap3A_288 = arith.constant 80 : index
    %swap3A_289 = tpu.vector_load %arg7[%swap3A_287, %swap3A_288] {strides = array<i32>} : memref<128x128xi32, #tpu.memory_space<vmem>>, vector<1x16xi32>,
    %swap3A_290 = vector.shape_cast %swap3A_289 : vector<1x16xi32> to vector<16xi32>
    %swap3A_291 = vector.shape_cast %broadcast_in_dim3A_17 : vector<16xi32> to vector<1x16xi32>
    tpu.vector_store %arg7[%swap3A_287, %swap3A_288], %swap3A_291 {strides = array<i32>} : memref<128x128xi32, #tpu.memory_space<vmem>>, vector<1x16xi32>,
    %swap3A_292 = arith.constant 2 : i32
    %swap3A_293 = arith.index_cast %swap3A_292 : i32 to index
    %swap3A_294 = arith.constant 96 : index
    %swap3A_295 = tpu.vector_load %arg7[%swap3A_293, %swap3A_294] {strides = array<i32>} : memref<128x128xi32, #tpu.memory_space<vmem>>, vector<1x16xi32>,
    %swap3A_296 = vector.shape_cast %swap3A_295 : vector<1x16xi32> to vector<16xi32>
    %swap3A_297 = vector.shape_cast %broadcast_in_dim3A_17 : vector<16xi32> to vector<1x16xi32>
    tpu.vector_store %arg7[%swap3A_293, %swap3A_294], %swap3A_297 {strides = array<i32>} : memref<128x128xi32, #tpu.memory_space<vmem>>, vector<1x16xi32>,
    %swap3A_298 = arith.constant 2 : i32
    %swap3A_299 = arith.index_cast %swap3A_298 : i32 to index
    %swap3A_300 = arith.constant 112 : index
    %swap3A_301 = tpu.vector_load %arg7[%swap3A_299, %swap3A_300] {strides = array<i32>} : memref<128x128xi32, #tpu.memory_space<vmem>>, vector<1x16xi32>,
    %swap3A_302 = vector.shape_cast %swap3A_301 : vector<1x16xi32> to vector<16xi32>
    %swap3A_303 = vector.shape_cast %broadcast_in_dim3A_17 : vector<16xi32> to vector<1x16xi32>
    tpu.vector_store %arg7[%swap3A_299, %swap3A_300], %swap3A_303 {strides = array<i32>} : memref<128x128xi32, #tpu.memory_space<vmem>>, vector<1x16xi32>,
    %dma_start3A_304 = arith.constant 2 : i32
    %dma_start3A_305 = arith.constant 1 : i32
    %dma_start3A_306 = arith.constant 0 : i32
    %dma_start3A_307 = arith.constant 0 : i32
    %dma_start3A_308 = arith.constant 0 : i32
    %dma_start3A_309 = tpu.memref_slice %arg9[%dma_start3A_305, %dma_start3A_306, %dma_start3A_307, %dma_start3A_308] : memref<3x2x128x128xf32, #tpu.memory_space<vmem>> -> memref<1x1x50x128xf32, #tpu.memory_space<vmem>>
    %dma_start3A_310 = tpu.memref_squeeze %dma_start3A_309 : memref<1x1x50x128xf32, #tpu.memory_space<vmem>> -> memref<50x128xf32, #tpu.memory_space<vmem>>
    %dma_start3A_311 = arith.constant 0 : i32
    %dma_start3A_312 = tpu.memref_slice %arg7[%dma_start3A_304, %dma_start3A_311] : memref<128x128xi32, #tpu.memory_space<vmem>> -> memref<1x50xi32, #tpu.memory_space<vmem>>
    %dma_start3A_313 = tpu.memref_squeeze %dma_start3A_312 : memref<1x50xi32, #tpu.memory_space<vmem>> -> memref<50xi32, #tpu.memory_space<vmem>>
    %dma_start3A_314 = arith.constant 0 : i32
    %dma_start3A_315 = arith.constant 0 : i32
    %dma_start3A_316 = tpu.memref_slice %arg8[%dma_start3A_314, %dma_start3A_315] : memref<10x128xf32, #tpu.memory_space<vmem_shared>> -> memref<10x128xf32, #tpu.memory_space<vmem_shared>>
    tpu.enqueue_indirect_dma source(%dma_start3A_316 : memref<10x128xf32, #tpu.memory_space<vmem_shared>>) target(%dma_start3A_310 : memref<50x128xf32, #tpu.memory_space<vmem>>) offsets(%dma_start3A_313 : memref<50xi32, #tpu.memory_space<vmem>>) semaphore(%arg10 : memref<!tpu.dma_semaphore, #tpu.memory_space<semaphore_mem>>)
    %get3A_317 = arith.constant 150 : index
    %get3A_318 = tpu.vector_load %arg6[%get3A_317] {strides = array<i32>} : memref<6416xi32, #tpu.memory_space<vmem>>, vector<16xi32>,
    %get3A_319 = vector.shape_cast %get3A_318 : vector<16xi32> to vector<16xi32>
    %swap3A_320 = arith.constant 3 : i32
    %swap3A_321 = arith.index_cast %swap3A_320 : i32 to index
    %swap3A_322 = arith.constant 0 : index
    %swap3A_323 = tpu.vector_load %arg7[%swap3A_321, %swap3A_322] {strides = array<i32>} : memref<128x128xi32, #tpu.memory_space<vmem>>, vector<1x16xi32>,
    %swap3A_324 = vector.shape_cast %swap3A_323 : vector<1x16xi32> to vector<16xi32>
    %swap3A_325 = vector.shape_cast %get3A_319 : vector<16xi32> to vector<1x16xi32>
    tpu.vector_store %arg7[%swap3A_321, %swap3A_322], %swap3A_325 {strides = array<i32>} : memref<128x128xi32, #tpu.memory_space<vmem>>, vector<1x16xi32>,
    %get3A_326 = arith.constant 166 : index
    %get3A_327 = tpu.vector_load %arg6[%get3A_326] {strides = array<i32>} : memref<6416xi32, #tpu.memory_space<vmem>>, vector<16xi32>,
    %get3A_328 = vector.shape_cast %get3A_327 : vector<16xi32> to vector<16xi32>
    %swap3A_329 = arith.constant 3 : i32
    %swap3A_330 = arith.index_cast %swap3A_329 : i32 to index
    %swap3A_331 = arith.constant 16 : index
    %swap3A_332 = tpu.vector_load %arg7[%swap3A_330, %swap3A_331] {strides = array<i32>} : memref<128x128xi32, #tpu.memory_space<vmem>>, vector<1x16xi32>,
    %swap3A_333 = vector.shape_cast %swap3A_332 : vector<1x16xi32> to vector<16xi32>
    %swap3A_334 = vector.shape_cast %get3A_328 : vector<16xi32> to vector<1x16xi32>
    tpu.vector_store %arg7[%swap3A_330, %swap3A_331], %swap3A_334 {strides = array<i32>} : memref<128x128xi32, #tpu.memory_space<vmem>>, vector<1x16xi32>,
    %get3A_335 = arith.constant 182 : index
    %get3A_336 = tpu.vector_load %arg6[%get3A_335] {strides = array<i32>} : memref<6416xi32, #tpu.memory_space<vmem>>, vector<16xi32>,
    %get3A_337 = vector.shape_cast %get3A_336 : vector<16xi32> to vector<16xi32>
    %swap3A_338 = arith.constant 3 : i32
    %swap3A_339 = arith.index_cast %swap3A_338 : i32 to index
    %swap3A_340 = arith.constant 32 : index
    %swap3A_341 = tpu.vector_load %arg7[%swap3A_339, %swap3A_340] {strides = array<i32>} : memref<128x128xi32, #tpu.memory_space<vmem>>, vector<1x16xi32>,
    %swap3A_342 = vector.shape_cast %swap3A_341 : vector<1x16xi32> to vector<16xi32>
    %swap3A_343 = vector.shape_cast %get3A_337 : vector<16xi32> to vector<1x16xi32>
    tpu.vector_store %arg7[%swap3A_339, %swap3A_340], %swap3A_343 {strides = array<i32>} : memref<128x128xi32, #tpu.memory_space<vmem>>, vector<1x16xi32>,
    %get3A_344 = arith.constant 198 : index
    %get3A_345 = tpu.vector_load %arg6[%get3A_344] {strides = array<i32>} : memref<6416xi32, #tpu.memory_space<vmem>>, vector<16xi32>,
    %get3A_346 = vector.shape_cast %get3A_345 : vector<16xi32> to vector<16xi32>
    %select_n3A_347 = arith.select %lt3A_19, %get3A_346, %broadcast_in_dim3A_17 : vector<16xi1>, vector<16xi32>
    %swap3A_348 = arith.constant 3 : i32
    %swap3A_349 = arith.index_cast %swap3A_348 : i32 to index
    %swap3A_350 = arith.constant 48 : index
    %swap3A_351 = tpu.vector_load %arg7[%swap3A_349, %swap3A_350] {strides = array<i32>} : memref<128x128xi32, #tpu.memory_space<vmem>>, vector<1x16xi32>,
    %swap3A_352 = vector.shape_cast %swap3A_351 : vector<1x16xi32> to vector<16xi32>
    %swap3A_353 = vector.shape_cast %select_n3A_347 : vector<16xi32> to vector<1x16xi32>
    tpu.vector_store %arg7[%swap3A_349, %swap3A_350], %swap3A_353 {strides = array<i32>} : memref<128x128xi32, #tpu.memory_space<vmem>>, vector<1x16xi32>,
    %swap3A_354 = arith.constant 3 : i32
    %swap3A_355 = arith.index_cast %swap3A_354 : i32 to index
    %swap3A_356 = arith.constant 64 : index
    %swap3A_357 = tpu.vector_load %arg7[%swap3A_355, %swap3A_356] {strides = array<i32>} : memref<128x128xi32, #tpu.memory_space<vmem>>, vector<1x16xi32>,
    %swap3A_358 = vector.shape_cast %swap3A_357 : vector<1x16xi32> to vector<16xi32>
    %swap3A_359 = vector.shape_cast %broadcast_in_dim3A_17 : vector<16xi32> to vector<1x16xi32>
    tpu.vector_store %arg7[%swap3A_355, %swap3A_356], %swap3A_359 {strides = array<i32>} : memref<128x128xi32, #tpu.memory_space<vmem>>, vector<1x16xi32>,
    %swap3A_360 = arith.constant 3 : i32
    %swap3A_361 = arith.index_cast %swap3A_360 : i32 to index
    %swap3A_362 = arith.constant 80 : index
    %swap3A_363 = tpu.vector_load %arg7[%swap3A_361, %swap3A_362] {strides = array<i32>} : memref<128x128xi32, #tpu.memory_space<vmem>>, vector<1x16xi32>,
    %swap3A_364 = vector.shape_cast %swap3A_363 : vector<1x16xi32> to vector<16xi32>
    %swap3A_365 = vector.shape_cast %broadcast_in_dim3A_17 : vector<16xi32> to vector<1x16xi32>
    tpu.vector_store %arg7[%swap3A_361, %swap3A_362], %swap3A_365 {strides = array<i32>} : memref<128x128xi32, #tpu.memory_space<vmem>>, vector<1x16xi32>,
    %swap3A_366 = arith.constant 3 : i32
    %swap3A_367 = arith.index_cast %swap3A_366 : i32 to index
    %swap3A_368 = arith.constant 96 : index
    %swap3A_369 = tpu.vector_load %arg7[%swap3A_367, %swap3A_368] {strides = array<i32>} : memref<128x128xi32, #tpu.memory_space<vmem>>, vector<1x16xi32>,
    %swap3A_370 = vector.shape_cast %swap3A_369 : vector<1x16xi32> to vector<16xi32>
    %swap3A_371 = vector.shape_cast %broadcast_in_dim3A_17 : vector<16xi32> to vector<1x16xi32>
    tpu.vector_store %arg7[%swap3A_367, %swap3A_368], %swap3A_371 {strides = array<i32>} : memref<128x128xi32, #tpu.memory_space<vmem>>, vector<1x16xi32>,
    %swap3A_372 = arith.constant 3 : i32
    %swap3A_373 = arith.index_cast %swap3A_372 : i32 to index
    %swap3A_374 = arith.constant 112 : index
    %swap3A_375 = tpu.vector_load %arg7[%swap3A_373, %swap3A_374] {strides = array<i32>} : memref<128x128xi32, #tpu.memory_space<vmem>>, vector<1x16xi32>,
    %swap3A_376 = vector.shape_cast %swap3A_375 : vector<1x16xi32> to vector<16xi32>
    %swap3A_377 = vector.shape_cast %broadcast_in_dim3A_17 : vector<16xi32> to vector<1x16xi32>
    tpu.vector_store %arg7[%swap3A_373, %swap3A_374], %swap3A_377 {strides = array<i32>} : memref<128x128xi32, #tpu.memory_space<vmem>>, vector<1x16xi32>,
    %dma_start3A_378 = arith.constant 3 : i32
    %dma_start3A_379 = arith.constant 1 : i32
    %dma_start3A_380 = arith.constant 1 : i32
    %dma_start3A_381 = arith.constant 0 : i32
    %dma_start3A_382 = arith.constant 0 : i32
    %dma_start3A_383 = tpu.memref_slice %arg9[%dma_start3A_379, %dma_start3A_380, %dma_start3A_381, %dma_start3A_382] : memref<3x2x128x128xf32, #tpu.memory_space<vmem>> -> memref<1x1x50x128xf32, #tpu.memory_space<vmem>>
    %dma_start3A_384 = tpu.memref_squeeze %dma_start3A_383 : memref<1x1x50x128xf32, #tpu.memory_space<vmem>> -> memref<50x128xf32, #tpu.memory_space<vmem>>
    %dma_start3A_385 = arith.constant 0 : i32
    %dma_start3A_386 = tpu.memref_slice %arg7[%dma_start3A_378, %dma_start3A_385] : memref<128x128xi32, #tpu.memory_space<vmem>> -> memref<1x50xi32, #tpu.memory_space<vmem>>
    %dma_start3A_387 = tpu.memref_squeeze %dma_start3A_386 : memref<1x50xi32, #tpu.memory_space<vmem>> -> memref<50xi32, #tpu.memory_space<vmem>>
    %dma_start3A_388 = arith.constant 0 : i32
    %dma_start3A_389 = arith.constant 0 : i32
    %dma_start3A_390 = tpu.memref_slice %arg8[%dma_start3A_388, %dma_start3A_389] : memref<10x128xf32, #tpu.memory_space<vmem_shared>> -> memref<10x128xf32, #tpu.memory_space<vmem_shared>>
    tpu.enqueue_indirect_dma source(%dma_start3A_390 : memref<10x128xf32, #tpu.memory_space<vmem_shared>>) target(%dma_start3A_384 : memref<50x128xf32, #tpu.memory_space<vmem>>) offsets(%dma_start3A_387 : memref<50xi32, #tpu.memory_space<vmem>>) semaphore(%arg10 : memref<!tpu.dma_semaphore, #tpu.memory_space<semaphore_mem>>)
    %dma_wait3A_391 = arith.constant 0 : i32
    %dma_wait3A_392 = arith.constant 0 : i32
    %dma_wait3A_393 = arith.constant 0 : i32
    %dma_wait3A_394 = arith.constant 50 : i32
    %dma_wait3A_395 = arith.constant 0 : i32
    %dma_wait3A_396 = tpu.memref_slice %arg9[%dma_wait3A_392, %dma_wait3A_393, %dma_wait3A_394, %dma_wait3A_395] : memref<3x2x128x128xf32, #tpu.memory_space<vmem>> -> memref<1x1x78x128xf32, #tpu.memory_space<vmem>>
    %dma_wait3A_397 = tpu.memref_squeeze %dma_wait3A_396 : memref<1x1x78x128xf32, #tpu.memory_space<vmem>> -> memref<78x128xf32, #tpu.memory_space<vmem>>
    %dma_wait3A_398 = arith.constant 50 : i32
    %dma_wait3A_399 = tpu.memref_slice %arg7[%dma_wait3A_391, %dma_wait3A_398] : memref<128x128xi32, #tpu.memory_space<vmem>> -> memref<1x78xi32, #tpu.memory_space<vmem>>
    %dma_wait3A_400 = tpu.memref_squeeze %dma_wait3A_399 : memref<1x78xi32, #tpu.memory_space<vmem>> -> memref<78xi32, #tpu.memory_space<vmem>>
    %dma_wait3A_401 = arith.constant 0 : i32
    %dma_wait3A_402 = arith.constant 0 : i32
    %dma_wait3A_403 = tpu.memref_slice %arg8[%dma_wait3A_401, %dma_wait3A_402] : memref<10x128xf32, #tpu.memory_space<vmem_shared>> -> memref<10x128xf32, #tpu.memory_space<vmem_shared>>
    tpu.wait_indirect_dma semaphore(%arg11 : memref<!tpu.dma_semaphore, #tpu.memory_space<semaphore_mem>>) src(%dma_wait3A_403 : memref<10x128xf32, #tpu.memory_space<vmem_shared>>) dst(%dma_wait3A_397 : memref<78x128xf32, #tpu.memory_space<vmem>>)
    %dma_wait3A_404 = arith.constant 0 : i32
    %dma_wait3A_405 = arith.constant 0 : i32
    %dma_wait3A_406 = arith.constant 1 : i32
    %dma_wait3A_407 = arith.constant 50 : i32
    %dma_wait3A_408 = arith.constant 0 : i32
    %dma_wait3A_409 = tpu.memref_slice %arg9[%dma_wait3A_405, %dma_wait3A_406, %dma_wait3A_407, %dma_wait3A_408] : memref<3x2x128x128xf32, #tpu.memory_space<vmem>> -> memref<1x1x78x128xf32, #tpu.memory_space<vmem>>
    %dma_wait3A_410 = tpu.memref_squeeze %dma_wait3A_409 : memref<1x1x78x128xf32, #tpu.memory_space<vmem>> -> memref<78x128xf32, #tpu.memory_space<vmem>>
    %dma_wait3A_411 = arith.constant 50 : i32
    %dma_wait3A_412 = tpu.memref_slice %arg7[%dma_wait3A_404, %dma_wait3A_411] : memref<128x128xi32, #tpu.memory_space<vmem>> -> memref<1x78xi32, #tpu.memory_space<vmem>>
    %dma_wait3A_413 = tpu.memref_squeeze %dma_wait3A_412 : memref<1x78xi32, #tpu.memory_space<vmem>> -> memref<78xi32, #tpu.memory_space<vmem>>
    %dma_wait3A_414 = arith.constant 0 : i32
    %dma_wait3A_415 = arith.constant 0 : i32
    %dma_wait3A_416 = tpu.memref_slice %arg8[%dma_wait3A_414, %dma_wait3A_415] : memref<10x128xf32, #tpu.memory_space<vmem_shared>> -> memref<10x128xf32, #tpu.memory_space<vmem_shared>>
    tpu.wait_indirect_dma semaphore(%arg11 : memref<!tpu.dma_semaphore, #tpu.memory_space<semaphore_mem>>) src(%dma_wait3A_416 : memref<10x128xf32, #tpu.memory_space<vmem_shared>>) dst(%dma_wait3A_410 : memref<78x128xf32, #tpu.memory_space<vmem>>)
    %dma_wait3A_417 = arith.constant 0 : i32
    %dma_wait3A_418 = arith.constant 1 : i32
    %dma_wait3A_419 = arith.constant 0 : i32
    %dma_wait3A_420 = arith.constant 50 : i32
    %dma_wait3A_421 = arith.constant 0 : i32
    %dma_wait3A_422 = tpu.memref_slice %arg9[%dma_wait3A_418, %dma_wait3A_419, %dma_wait3A_420, %dma_wait3A_421] : memref<3x2x128x128xf32, #tpu.memory_space<vmem>> -> memref<1x1x78x128xf32, #tpu.memory_space<vmem>>
    %dma_wait3A_423 = tpu.memref_squeeze %dma_wait3A_422 : memref<1x1x78x128xf32, #tpu.memory_space<vmem>> -> memref<78x128xf32, #tpu.memory_space<vmem>>
    %dma_wait3A_424 = arith.constant 50 : i32
    %dma_wait3A_425 = tpu.memref_slice %arg7[%dma_wait3A_417, %dma_wait3A_424] : memref<128x128xi32, #tpu.memory_space<vmem>> -> memref<1x78xi32, #tpu.memory_space<vmem>>
    %dma_wait3A_426 = tpu.memref_squeeze %dma_wait3A_425 : memref<1x78xi32, #tpu.memory_space<vmem>> -> memref<78xi32, #tpu.memory_space<vmem>>
    %dma_wait3A_427 = arith.constant 0 : i32
    %dma_wait3A_428 = arith.constant 0 : i32
    %dma_wait3A_429 = tpu.memref_slice %arg8[%dma_wait3A_427, %dma_wait3A_428] : memref<10x128xf32, #tpu.memory_space<vmem_shared>> -> memref<10x128xf32, #tpu.memory_space<vmem_shared>>
    tpu.wait_indirect_dma semaphore(%arg11 : memref<!tpu.dma_semaphore, #tpu.memory_space<semaphore_mem>>) src(%dma_wait3A_429 : memref<10x128xf32, #tpu.memory_space<vmem_shared>>) dst(%dma_wait3A_423 : memref<78x128xf32, #tpu.memory_space<vmem>>)
    %dma_wait3A_430 = arith.constant 0 : i32
    %dma_wait3A_431 = arith.constant 1 : i32
    %dma_wait3A_432 = arith.constant 1 : i32
    %dma_wait3A_433 = arith.constant 50 : i32
    %dma_wait3A_434 = arith.constant 0 : i32
    %dma_wait3A_435 = tpu.memref_slice %arg9[%dma_wait3A_431, %dma_wait3A_432, %dma_wait3A_433, %dma_wait3A_434] : memref<3x2x128x128xf32, #tpu.memory_space<vmem>> -> memref<1x1x78x128xf32, #tpu.memory_space<vmem>>
    %dma_wait3A_436 = tpu.memref_squeeze %dma_wait3A_435 : memref<1x1x78x128xf32, #tpu.memory_space<vmem>> -> memref<78x128xf32, #tpu.memory_space<vmem>>
    %dma_wait3A_437 = arith.constant 50 : i32
    %dma_wait3A_438 = tpu.memref_slice %arg7[%dma_wait3A_430, %dma_wait3A_437] : memref<128x128xi32, #tpu.memory_space<vmem>> -> memref<1x78xi32, #tpu.memory_space<vmem>>
    %dma_wait3A_439 = tpu.memref_squeeze %dma_wait3A_438 : memref<1x78xi32, #tpu.memory_space<vmem>> -> memref<78xi32, #tpu.memory_space<vmem>>
    %dma_wait3A_440 = arith.constant 0 : i32
    %dma_wait3A_441 = arith.constant 0 : i32
    %dma_wait3A_442 = tpu.memref_slice %arg8[%dma_wait3A_440, %dma_wait3A_441] : memref<10x128xf32, #tpu.memory_space<vmem_shared>> -> memref<10x128xf32, #tpu.memory_space<vmem_shared>>
    tpu.wait_indirect_dma semaphore(%arg11 : memref<!tpu.dma_semaphore, #tpu.memory_space<semaphore_mem>>) src(%dma_wait3A_442 : memref<10x128xf32, #tpu.memory_space<vmem_shared>>) dst(%dma_wait3A_436 : memref<78x128xf32, #tpu.memory_space<vmem>>)
    %dma_wait3A_443 = arith.constant 0 : i32
    %dma_wait3A_444 = arith.constant 2 : i32
    %dma_wait3A_445 = arith.constant 0 : i32
    %dma_wait3A_446 = arith.constant 50 : i32
    %dma_wait3A_447 = arith.constant 0 : i32
    %dma_wait3A_448 = tpu.memref_slice %arg9[%dma_wait3A_444, %dma_wait3A_445, %dma_wait3A_446, %dma_wait3A_447] : memref<3x2x128x128xf32, #tpu.memory_space<vmem>> -> memref<1x1x78x128xf32, #tpu.memory_space<vmem>>
    %dma_wait3A_449 = tpu.memref_squeeze %dma_wait3A_448 : memref<1x1x78x128xf32, #tpu.memory_space<vmem>> -> memref<78x128xf32, #tpu.memory_space<vmem>>
    %dma_wait3A_450 = arith.constant 50 : i32
    %dma_wait3A_451 = tpu.memref_slice %arg7[%dma_wait3A_443, %dma_wait3A_450] : memref<128x128xi32, #tpu.memory_space<vmem>> -> memref<1x78xi32, #tpu.memory_space<vmem>>
    %dma_wait3A_452 = tpu.memref_squeeze %dma_wait3A_451 : memref<1x78xi32, #tpu.memory_space<vmem>> -> memref<78xi32, #tpu.memory_space<vmem>>
    %dma_wait3A_453 = arith.constant 0 : i32
    %dma_wait3A_454 = arith.constant 0 : i32
    %dma_wait3A_455 = tpu.memref_slice %arg8[%dma_wait3A_453, %dma_wait3A_454] : memref<10x128xf32, #tpu.memory_space<vmem_shared>> -> memref<10x128xf32, #tpu.memory_space<vmem_shared>>
    tpu.wait_indirect_dma semaphore(%arg11 : memref<!tpu.dma_semaphore, #tpu.memory_space<semaphore_mem>>) src(%dma_wait3A_455 : memref<10x128xf32, #tpu.memory_space<vmem_shared>>) dst(%dma_wait3A_449 : memref<78x128xf32, #tpu.memory_space<vmem>>)
    %dma_wait3A_456 = arith.constant 0 : i32
    %dma_wait3A_457 = arith.constant 2 : i32
    %dma_wait3A_458 = arith.constant 1 : i32
    %dma_wait3A_459 = arith.constant 50 : i32
    %dma_wait3A_460 = arith.constant 0 : i32
    %dma_wait3A_461 = tpu.memref_slice %arg9[%dma_wait3A_457, %dma_wait3A_458, %dma_wait3A_459, %dma_wait3A_460] : memref<3x2x128x128xf32, #tpu.memory_space<vmem>> -> memref<1x1x78x128xf32, #tpu.memory_space<vmem>>
    %dma_wait3A_462 = tpu.memref_squeeze %dma_wait3A_461 : memref<1x1x78x128xf32, #tpu.memory_space<vmem>> -> memref<78x128xf32, #tpu.memory_space<vmem>>
    %dma_wait3A_463 = arith.constant 50 : i32
    %dma_wait3A_464 = tpu.memref_slice %arg7[%dma_wait3A_456, %dma_wait3A_463] : memref<128x128xi32, #tpu.memory_space<vmem>> -> memref<1x78xi32, #tpu.memory_space<vmem>>
    %dma_wait3A_465 = tpu.memref_squeeze %dma_wait3A_464 : memref<1x78xi32, #tpu.memory_space<vmem>> -> memref<78xi32, #tpu.memory_space<vmem>>
    %dma_wait3A_466 = arith.constant 0 : i32
    %dma_wait3A_467 = arith.constant 0 : i32
    %dma_wait3A_468 = tpu.memref_slice %arg8[%dma_wait3A_466, %dma_wait3A_467] : memref<10x128xf32, #tpu.memory_space<vmem_shared>> -> memref<10x128xf32, #tpu.memory_space<vmem_shared>>
    tpu.wait_indirect_dma semaphore(%arg11 : memref<!tpu.dma_semaphore, #tpu.memory_space<semaphore_mem>>) src(%dma_wait3A_468 : memref<10x128xf32, #tpu.memory_space<vmem_shared>>) dst(%dma_wait3A_462 : memref<78x128xf32, #tpu.memory_space<vmem>>)
    %scan3A = arith.constant 0 : i32
    %scan3A_469 = arith.constant 0 : i32
    %scan3A_470 = arith.constant 64 : i32
    %scan3A_471 = arith.addi %scan3A_469, %scan3A_470 : i32
    %scan3A_472 = arith.constant 1 : i32
    scf.for %scan3A_535 = %scan3A_469 to %scan3A_471 step %scan3A_472  : i32 {
      %add3A_536 = arith.constant 3 : i32
      %add3A_537 = arith.addi %scan3A_535, %add3A_536 : i32
      %sub3A = arith.constant 1 : i32
      %sub3A_538 = arith.subi %add3A_537, %sub3A : i32
      %lt3A_539 = arith.constant 64 : i32
      %lt3A_540 = arith.cmpi slt, %sub3A_538, %lt3A_539 : i32
      %convert_element_type3A_541 = arith.extui %lt3A_540 : i1 to i32
      %cond3A_542 = arith.constant 0 : i32
      %cond3A_543 = arith.cmpi ne, %convert_element_type3A_541, %cond3A_542 : i32
      scf.if %cond3A_543 {
        %add3A_642 = arith.constant 3 : i32
        %add3A_643 = arith.addi %scan3A_535, %add3A_642 : i32
        %sub3A_644 = arith.constant 1 : i32
        %sub3A_645 = arith.subi %add3A_643, %sub3A_644 : i32
        %mul3A_646 = arith.constant 2 : i32
        %mul3A_647 = arith.muli %mul3A_646, %sub3A_645 : i32
        %add3A_648 = arith.constant 0 : i32
        %add3A_649 = arith.addi %mul3A_647, %add3A_648 : i32
        %mul3A_650 = arith.constant 50 : i32
        %mul3A_651 = arith.muli %add3A_649, %mul3A_650 : i32
        %add3A_652 = arith.constant 0 : i32
        %add3A_653 = arith.addi %mul3A_651, %add3A_652 : i32
        %get3A_654 = arith.index_cast %add3A_653 : i32 to index
        %get3A_655 = tpu.vector_load %arg6[%get3A_654] {strides = array<i32>} : memref<6416xi32, #tpu.memory_space<vmem>>, vector<16xi32>,
        %get3A_656 = vector.shape_cast %get3A_655 : vector<16xi32> to vector<16xi32>
        %swap3A_657 = arith.index_cast %add3A_649 : i32 to index
        %swap3A_658 = arith.constant 0 : index
        %swap3A_659 = tpu.vector_load %arg7[%swap3A_657, %swap3A_658] {strides = array<i32>} : memref<128x128xi32, #tpu.memory_space<vmem>>, vector<1x16xi32>,
        %swap3A_660 = vector.shape_cast %swap3A_659 : vector<1x16xi32> to vector<16xi32>
        %swap3A_661 = vector.shape_cast %get3A_656 : vector<16xi32> to vector<1x16xi32>
        tpu.vector_store %arg7[%swap3A_657, %swap3A_658], %swap3A_661 {strides = array<i32>} : memref<128x128xi32, #tpu.memory_space<vmem>>, vector<1x16xi32>,
        %add3A_662 = arith.constant 16 : i32
        %add3A_663 = arith.addi %mul3A_651, %add3A_662 : i32
        %get3A_664 = arith.index_cast %add3A_663 : i32 to index
        %get3A_665 = tpu.vector_load %arg6[%get3A_664] {strides = array<i32>} : memref<6416xi32, #tpu.memory_space<vmem>>, vector<16xi32>,
        %get3A_666 = vector.shape_cast %get3A_665 : vector<16xi32> to vector<16xi32>
        %swap3A_667 = arith.index_cast %add3A_649 : i32 to index
        %swap3A_668 = arith.constant 16 : index
        %swap3A_669 = tpu.vector_load %arg7[%swap3A_667, %swap3A_668] {strides = array<i32>} : memref<128x128xi32, #tpu.memory_space<vmem>>, vector<1x16xi32>,
        %swap3A_670 = vector.shape_cast %swap3A_669 : vector<1x16xi32> to vector<16xi32>
        %swap3A_671 = vector.shape_cast %get3A_666 : vector<16xi32> to vector<1x16xi32>
        tpu.vector_store %arg7[%swap3A_667, %swap3A_668], %swap3A_671 {strides = array<i32>} : memref<128x128xi32, #tpu.memory_space<vmem>>, vector<1x16xi32>,
        %add3A_672 = arith.constant 32 : i32
        %add3A_673 = arith.addi %mul3A_651, %add3A_672 : i32
        %get3A_674 = arith.index_cast %add3A_673 : i32 to index
        %get3A_675 = tpu.vector_load %arg6[%get3A_674] {strides = array<i32>} : memref<6416xi32, #tpu.memory_space<vmem>>, vector<16xi32>,
        %get3A_676 = vector.shape_cast %get3A_675 : vector<16xi32> to vector<16xi32>
        %swap3A_677 = arith.index_cast %add3A_649 : i32 to index
        %swap3A_678 = arith.constant 32 : index
        %swap3A_679 = tpu.vector_load %arg7[%swap3A_677, %swap3A_678] {strides = array<i32>} : memref<128x128xi32, #tpu.memory_space<vmem>>, vector<1x16xi32>,
        %swap3A_680 = vector.shape_cast %swap3A_679 : vector<1x16xi32> to vector<16xi32>
        %swap3A_681 = vector.shape_cast %get3A_676 : vector<16xi32> to vector<1x16xi32>
        tpu.vector_store %arg7[%swap3A_677, %swap3A_678], %swap3A_681 {strides = array<i32>} : memref<128x128xi32, #tpu.memory_space<vmem>>, vector<1x16xi32>,
        %add3A_682 = arith.constant 48 : i32
        %add3A_683 = arith.addi %mul3A_651, %add3A_682 : i32
        %get3A_684 = arith.index_cast %add3A_683 : i32 to index
        %get3A_685 = tpu.vector_load %arg6[%get3A_684] {strides = array<i32>} : memref<6416xi32, #tpu.memory_space<vmem>>, vector<16xi32>,
        %get3A_686 = vector.shape_cast %get3A_685 : vector<16xi32> to vector<16xi32>
        %select_n3A_687 = arith.select %lt3A_19, %get3A_686, %broadcast_in_dim3A_17 : vector<16xi1>, vector<16xi32>
        %swap3A_688 = arith.index_cast %add3A_649 : i32 to index
        %swap3A_689 = arith.constant 48 : index
        %swap3A_690 = tpu.vector_load %arg7[%swap3A_688, %swap3A_689] {strides = array<i32>} : memref<128x128xi32, #tpu.memory_space<vmem>>, vector<1x16xi32>,
        %swap3A_691 = vector.shape_cast %swap3A_690 : vector<1x16xi32> to vector<16xi32>
        %swap3A_692 = vector.shape_cast %select_n3A_687 : vector<16xi32> to vector<1x16xi32>
        tpu.vector_store %arg7[%swap3A_688, %swap3A_689], %swap3A_692 {strides = array<i32>} : memref<128x128xi32, #tpu.memory_space<vmem>>, vector<1x16xi32>,
        %swap3A_693 = arith.index_cast %add3A_649 : i32 to index
        %swap3A_694 = arith.constant 64 : index
        %swap3A_695 = tpu.vector_load %arg7[%swap3A_693, %swap3A_694] {strides = array<i32>} : memref<128x128xi32, #tpu.memory_space<vmem>>, vector<1x16xi32>,
        %swap3A_696 = vector.shape_cast %swap3A_695 : vector<1x16xi32> to vector<16xi32>
        %swap3A_697 = vector.shape_cast %broadcast_in_dim3A_17 : vector<16xi32> to vector<1x16xi32>
        tpu.vector_store %arg7[%swap3A_693, %swap3A_694], %swap3A_697 {strides = array<i32>} : memref<128x128xi32, #tpu.memory_space<vmem>>, vector<1x16xi32>,
        %swap3A_698 = arith.index_cast %add3A_649 : i32 to index
        %swap3A_699 = arith.constant 80 : index
        %swap3A_700 = tpu.vector_load %arg7[%swap3A_698, %swap3A_699] {strides = array<i32>} : memref<128x128xi32, #tpu.memory_space<vmem>>, vector<1x16xi32>,
        %swap3A_701 = vector.shape_cast %swap3A_700 : vector<1x16xi32> to vector<16xi32>
        %swap3A_702 = vector.shape_cast %broadcast_in_dim3A_17 : vector<16xi32> to vector<1x16xi32>
        tpu.vector_store %arg7[%swap3A_698, %swap3A_699], %swap3A_702 {strides = array<i32>} : memref<128x128xi32, #tpu.memory_space<vmem>>, vector<1x16xi32>,
        %swap3A_703 = arith.index_cast %add3A_649 : i32 to index
        %swap3A_704 = arith.constant 96 : index
        %swap3A_705 = tpu.vector_load %arg7[%swap3A_703, %swap3A_704] {strides = array<i32>} : memref<128x128xi32, #tpu.memory_space<vmem>>, vector<1x16xi32>,
        %swap3A_706 = vector.shape_cast %swap3A_705 : vector<1x16xi32> to vector<16xi32>
        %swap3A_707 = vector.shape_cast %broadcast_in_dim3A_17 : vector<16xi32> to vector<1x16xi32>
        tpu.vector_store %arg7[%swap3A_703, %swap3A_704], %swap3A_707 {strides = array<i32>} : memref<128x128xi32, #tpu.memory_space<vmem>>, vector<1x16xi32>,
        %swap3A_708 = arith.index_cast %add3A_649 : i32 to index
        %swap3A_709 = arith.constant 112 : index
        %swap3A_710 = tpu.vector_load %arg7[%swap3A_708, %swap3A_709] {strides = array<i32>} : memref<128x128xi32, #tpu.memory_space<vmem>>, vector<1x16xi32>,
        %swap3A_711 = vector.shape_cast %swap3A_710 : vector<1x16xi32> to vector<16xi32>
        %swap3A_712 = vector.shape_cast %broadcast_in_dim3A_17 : vector<16xi32> to vector<1x16xi32>
        tpu.vector_store %arg7[%swap3A_708, %swap3A_709], %swap3A_712 {strides = array<i32>} : memref<128x128xi32, #tpu.memory_space<vmem>>, vector<1x16xi32>,
        %add3A_713 = arith.constant 3 : i32
        %add3A_714 = arith.addi %scan3A_535, %add3A_713 : i32
        %sub3A_715 = arith.constant 1 : i32
        %sub3A_716 = arith.subi %add3A_714, %sub3A_715 : i32
        %mul3A_717 = arith.constant 2 : i32
        %mul3A_718 = arith.muli %mul3A_717, %sub3A_716 : i32
        %add3A_719 = arith.constant 1 : i32
        %add3A_720 = arith.addi %mul3A_718, %add3A_719 : i32
        %mul3A_721 = arith.constant 50 : i32
        %mul3A_722 = arith.muli %add3A_720, %mul3A_721 : i32
        %add3A_723 = arith.constant 0 : i32
        %add3A_724 = arith.addi %mul3A_722, %add3A_723 : i32
        %get3A_725 = arith.index_cast %add3A_724 : i32 to index
        %get3A_726 = tpu.vector_load %arg6[%get3A_725] {strides = array<i32>} : memref<6416xi32, #tpu.memory_space<vmem>>, vector<16xi32>,
        %get3A_727 = vector.shape_cast %get3A_726 : vector<16xi32> to vector<16xi32>
        %swap3A_728 = arith.index_cast %add3A_720 : i32 to index
        %swap3A_729 = arith.constant 0 : index
        %swap3A_730 = tpu.vector_load %arg7[%swap3A_728, %swap3A_729] {strides = array<i32>} : memref<128x128xi32, #tpu.memory_space<vmem>>, vector<1x16xi32>,
        %swap3A_731 = vector.shape_cast %swap3A_730 : vector<1x16xi32> to vector<16xi32>
        %swap3A_732 = vector.shape_cast %get3A_727 : vector<16xi32> to vector<1x16xi32>
        tpu.vector_store %arg7[%swap3A_728, %swap3A_729], %swap3A_732 {strides = array<i32>} : memref<128x128xi32, #tpu.memory_space<vmem>>, vector<1x16xi32>,
        %add3A_733 = arith.constant 16 : i32
        %add3A_734 = arith.addi %mul3A_722, %add3A_733 : i32
        %get3A_735 = arith.index_cast %add3A_734 : i32 to index
        %get3A_736 = tpu.vector_load %arg6[%get3A_735] {strides = array<i32>} : memref<6416xi32, #tpu.memory_space<vmem>>, vector<16xi32>,
        %get3A_737 = vector.shape_cast %get3A_736 : vector<16xi32> to vector<16xi32>
        %swap3A_738 = arith.index_cast %add3A_720 : i32 to index
        %swap3A_739 = arith.constant 16 : index
        %swap3A_740 = tpu.vector_load %arg7[%swap3A_738, %swap3A_739] {strides = array<i32>} : memref<128x128xi32, #tpu.memory_space<vmem>>, vector<1x16xi32>,
        %swap3A_741 = vector.shape_cast %swap3A_740 : vector<1x16xi32> to vector<16xi32>
        %swap3A_742 = vector.shape_cast %get3A_737 : vector<16xi32> to vector<1x16xi32>
        tpu.vector_store %arg7[%swap3A_738, %swap3A_739], %swap3A_742 {strides = array<i32>} : memref<128x128xi32, #tpu.memory_space<vmem>>, vector<1x16xi32>,
        %add3A_743 = arith.constant 32 : i32
        %add3A_744 = arith.addi %mul3A_722, %add3A_743 : i32
        %get3A_745 = arith.index_cast %add3A_744 : i32 to index
        %get3A_746 = tpu.vector_load %arg6[%get3A_745] {strides = array<i32>} : memref<6416xi32, #tpu.memory_space<vmem>>, vector<16xi32>,
        %get3A_747 = vector.shape_cast %get3A_746 : vector<16xi32> to vector<16xi32>
        %swap3A_748 = arith.index_cast %add3A_720 : i32 to index
        %swap3A_749 = arith.constant 32 : index
        %swap3A_750 = tpu.vector_load %arg7[%swap3A_748, %swap3A_749] {strides = array<i32>} : memref<128x128xi32, #tpu.memory_space<vmem>>, vector<1x16xi32>,
        %swap3A_751 = vector.shape_cast %swap3A_750 : vector<1x16xi32> to vector<16xi32>
        %swap3A_752 = vector.shape_cast %get3A_747 : vector<16xi32> to vector<1x16xi32>
        tpu.vector_store %arg7[%swap3A_748, %swap3A_749], %swap3A_752 {strides = array<i32>} : memref<128x128xi32, #tpu.memory_space<vmem>>, vector<1x16xi32>,
        %add3A_753 = arith.constant 48 : i32
        %add3A_754 = arith.addi %mul3A_722, %add3A_753 : i32
        %get3A_755 = arith.index_cast %add3A_754 : i32 to index
        %get3A_756 = tpu.vector_load %arg6[%get3A_755] {strides = array<i32>} : memref<6416xi32, #tpu.memory_space<vmem>>, vector<16xi32>,
        %get3A_757 = vector.shape_cast %get3A_756 : vector<16xi32> to vector<16xi32>
        %select_n3A_758 = arith.select %lt3A_19, %get3A_757, %broadcast_in_dim3A_17 : vector<16xi1>, vector<16xi32>
        %swap3A_759 = arith.index_cast %add3A_720 : i32 to index
        %swap3A_760 = arith.constant 48 : index
        %swap3A_761 = tpu.vector_load %arg7[%swap3A_759, %swap3A_760] {strides = array<i32>} : memref<128x128xi32, #tpu.memory_space<vmem>>, vector<1x16xi32>,
        %swap3A_762 = vector.shape_cast %swap3A_761 : vector<1x16xi32> to vector<16xi32>
        %swap3A_763 = vector.shape_cast %select_n3A_758 : vector<16xi32> to vector<1x16xi32>
        tpu.vector_store %arg7[%swap3A_759, %swap3A_760], %swap3A_763 {strides = array<i32>} : memref<128x128xi32, #tpu.memory_space<vmem>>, vector<1x16xi32>,
        %swap3A_764 = arith.index_cast %add3A_720 : i32 to index
        %swap3A_765 = arith.constant 64 : index
        %swap3A_766 = tpu.vector_load %arg7[%swap3A_764, %swap3A_765] {strides = array<i32>} : memref<128x128xi32, #tpu.memory_space<vmem>>, vector<1x16xi32>,
        %swap3A_767 = vector.shape_cast %swap3A_766 : vector<1x16xi32> to vector<16xi32>
        %swap3A_768 = vector.shape_cast %broadcast_in_dim3A_17 : vector<16xi32> to vector<1x16xi32>
        tpu.vector_store %arg7[%swap3A_764, %swap3A_765], %swap3A_768 {strides = array<i32>} : memref<128x128xi32, #tpu.memory_space<vmem>>, vector<1x16xi32>,
        %swap3A_769 = arith.index_cast %add3A_720 : i32 to index
        %swap3A_770 = arith.constant 80 : index
        %swap3A_771 = tpu.vector_load %arg7[%swap3A_769, %swap3A_770] {strides = array<i32>} : memref<128x128xi32, #tpu.memory_space<vmem>>, vector<1x16xi32>,
        %swap3A_772 = vector.shape_cast %swap3A_771 : vector<1x16xi32> to vector<16xi32>
        %swap3A_773 = vector.shape_cast %broadcast_in_dim3A_17 : vector<16xi32> to vector<1x16xi32>
        tpu.vector_store %arg7[%swap3A_769, %swap3A_770], %swap3A_773 {strides = array<i32>} : memref<128x128xi32, #tpu.memory_space<vmem>>, vector<1x16xi32>,
        %swap3A_774 = arith.index_cast %add3A_720 : i32 to index
        %swap3A_775 = arith.constant 96 : index
        %swap3A_776 = tpu.vector_load %arg7[%swap3A_774, %swap3A_775] {strides = array<i32>} : memref<128x128xi32, #tpu.memory_space<vmem>>, vector<1x16xi32>,
        %swap3A_777 = vector.shape_cast %swap3A_776 : vector<1x16xi32> to vector<16xi32>
        %swap3A_778 = vector.shape_cast %broadcast_in_dim3A_17 : vector<16xi32> to vector<1x16xi32>
        tpu.vector_store %arg7[%swap3A_774, %swap3A_775], %swap3A_778 {strides = array<i32>} : memref<128x128xi32, #tpu.memory_space<vmem>>, vector<1x16xi32>,
        %swap3A_779 = arith.index_cast %add3A_720 : i32 to index
        %swap3A_780 = arith.constant 112 : index
        %swap3A_781 = tpu.vector_load %arg7[%swap3A_779, %swap3A_780] {strides = array<i32>} : memref<128x128xi32, #tpu.memory_space<vmem>>, vector<1x16xi32>,
        %swap3A_782 = vector.shape_cast %swap3A_781 : vector<1x16xi32> to vector<16xi32>
        %swap3A_783 = vector.shape_cast %broadcast_in_dim3A_17 : vector<16xi32> to vector<1x16xi32>
        tpu.vector_store %arg7[%swap3A_779, %swap3A_780], %swap3A_783 {strides = array<i32>} : memref<128x128xi32, #tpu.memory_space<vmem>>, vector<1x16xi32>,
        %ge3A = arith.constant 1 : i32
        %ge3A_784 = arith.cmpi sge, %scan3A_535, %ge3A : i32
        %convert_element_type3A_785 = arith.extui %ge3A_784 : i1 to i32
        %cond3A_786 = arith.constant 0 : i32
        %cond3A_787 = arith.cmpi ne, %convert_element_type3A_785, %cond3A_786 : i32
        scf.if %cond3A_787 {
          %sub3A_858 = arith.constant 1 : i32
          %sub3A_859 = arith.subi %scan3A_535, %sub3A_858 : i32
          %jit3A_860 = arith.constant 3 : i32
          %eq3A_861 = arith.constant 0 : i32
          %eq3A_862 = arith.cmpi eq, %jit3A_860, %eq3A_861 : i32
          %jit3A_863 = arith.constant 1 : i32
          %select_n3A_864 = arith.select %eq3A_862, %jit3A_863, %jit3A_860 : i32
          %rem3A_865 = arith.remsi %sub3A_859, %select_n3A_864 : i32
          %ne3A_866 = arith.constant 0 : i32
          %ne3A_867 = arith.cmpi ne, %rem3A_865, %ne3A_866 : i32
          %lt3A_868 = arith.constant 0 : i32
          %lt3A_869 = arith.cmpi slt, %rem3A_865, %lt3A_868 : i32
          %lt3A_870 = arith.constant 0 : i32
          %lt3A_871 = arith.cmpi slt, %select_n3A_864, %lt3A_870 : i32
          %ne3A_872 = arith.xori %lt3A_869, %lt3A_871 : i1
          %and3A_873 = arith.andi %ne3A_872, %ne3A_867 : i1
          %add3A_874 = arith.addi %rem3A_865, %select_n3A_864 : i32
          %select_n3A_875 = arith.select %and3A_873, %add3A_874, %rem3A_865 : i32
          %mul3A_876 = arith.constant 2 : i32
          %mul3A_877 = arith.muli %mul3A_876, %sub3A_859 : i32
          %add3A_878 = arith.addi %mul3A_2, %mul3A_877 : i32
          %dma_wait3A_879 = arith.constant 0 : i32
          %dma_wait3A_880 = arith.constant 0 : i32
          %dma_wait3A_881 = arith.constant 0 : i32
          %dma_wait3A_882 = tpu.memref_slice %arg9[%select_n3A_875, %dma_wait3A_879, %dma_wait3A_880, %dma_wait3A_881] : memref<3x2x128x128xf32, #tpu.memory_space<vmem>> -> memref<1x2x128x128xf32, #tpu.memory_space<vmem>>
          %dma_wait3A_883 = tpu.memref_squeeze %dma_wait3A_882 : memref<1x2x128x128xf32, #tpu.memory_space<vmem>> -> memref<2x128x128xf32, #tpu.memory_space<vmem>>
          %dma_wait3A_884 = arith.constant 0 : i32
          %dma_wait3A_885 = arith.constant 0 : i32
          %dma_wait3A_886 = tpu.memref_slice %arg5[%add3A_878, %dma_wait3A_884, %dma_wait3A_885] : memref<4096x128x128xf32, #tpu.memory_space<hbm>> -> memref<2x128x128xf32, #tpu.memory_space<hbm>>
          %dma_wait3A_887 = arith.constant 0 : i32
          %dma_wait3A_888 = arith.constant 0 : i32
          %dma_wait3A_889 = tpu.memref_slice %arg5[%add3A_878, %dma_wait3A_887, %dma_wait3A_888] : memref<4096x128x128xf32, #tpu.memory_space<hbm>> -> memref<2x128x128xf32, #tpu.memory_space<hbm>>
          %dma_wait3A_890 = arith.constant 0 : i32
          %dma_wait3A_891 = arith.constant 0 : i32
          %dma_wait3A_892 = arith.constant 0 : i32
          %dma_wait3A_893 = tpu.memref_slice %arg9[%select_n3A_875, %dma_wait3A_890, %dma_wait3A_891, %dma_wait3A_892] : memref<3x2x128x128xf32, #tpu.memory_space<vmem>> -> memref<1x2x128x128xf32, #tpu.memory_space<vmem>>
          %dma_wait3A_894 = tpu.memref_squeeze %dma_wait3A_893 : memref<1x2x128x128xf32, #tpu.memory_space<vmem>> -> memref<2x128x128xf32, #tpu.memory_space<vmem>>
          tpu.wait_dma2 semaphore(%arg11 : memref<!tpu.dma_semaphore, #tpu.memory_space<semaphore_mem>>) src(%dma_wait3A_894 : memref<2x128x128xf32, #tpu.memory_space<vmem>>) dst(%dma_wait3A_889 : memref<2x128x128xf32, #tpu.memory_space<hbm>>)
        } else {
        }
        %add3A_788 = arith.constant 3 : i32
        %add3A_789 = arith.addi %scan3A_535, %add3A_788 : i32
        %sub3A_790 = arith.constant 1 : i32
        %sub3A_791 = arith.subi %add3A_789, %sub3A_790 : i32
        %mul3A_792 = arith.constant 2 : i32
        %mul3A_793 = arith.muli %mul3A_792, %sub3A_791 : i32
        %add3A_794 = arith.constant 0 : i32
        %add3A_795 = arith.addi %mul3A_793, %add3A_794 : i32
        %jit3A_796 = arith.constant 3 : i32
        %eq3A_797 = arith.constant 0 : i32
        %eq3A_798 = arith.cmpi eq, %jit3A_796, %eq3A_797 : i32
        %jit3A_799 = arith.constant 1 : i32
        %select_n3A_800 = arith.select %eq3A_798, %jit3A_799, %jit3A_796 : i32
        %rem3A_801 = arith.remsi %sub3A_791, %select_n3A_800 : i32
        %ne3A_802 = arith.constant 0 : i32
        %ne3A_803 = arith.cmpi ne, %rem3A_801, %ne3A_802 : i32
        %lt3A_804 = arith.constant 0 : i32
        %lt3A_805 = arith.cmpi slt, %rem3A_801, %lt3A_804 : i32
        %lt3A_806 = arith.constant 0 : i32
        %lt3A_807 = arith.cmpi slt, %select_n3A_800, %lt3A_806 : i32
        %ne3A_808 = arith.xori %lt3A_805, %lt3A_807 : i1
        %and3A_809 = arith.andi %ne3A_808, %ne3A_803 : i1
        %add3A_810 = arith.addi %rem3A_801, %select_n3A_800 : i32
        %select_n3A_811 = arith.select %and3A_809, %add3A_810, %rem3A_801 : i32
        %dma_start3A_812 = arith.constant 0 : i32
        %dma_start3A_813 = arith.constant 0 : i32
        %dma_start3A_814 = arith.constant 0 : i32
        %dma_start3A_815 = tpu.memref_slice %arg9[%select_n3A_811, %dma_start3A_812, %dma_start3A_813, %dma_start3A_814] : memref<3x2x128x128xf32, #tpu.memory_space<vmem>> -> memref<1x1x50x128xf32, #tpu.memory_space<vmem>>
        %dma_start3A_816 = tpu.memref_squeeze %dma_start3A_815 : memref<1x1x50x128xf32, #tpu.memory_space<vmem>> -> memref<50x128xf32, #tpu.memory_space<vmem>>
        %dma_start3A_817 = arith.constant 0 : i32
        %dma_start3A_818 = tpu.memref_slice %arg7[%add3A_795, %dma_start3A_817] : memref<128x128xi32, #tpu.memory_space<vmem>> -> memref<1x50xi32, #tpu.memory_space<vmem>>
        %dma_start3A_819 = tpu.memref_squeeze %dma_start3A_818 : memref<1x50xi32, #tpu.memory_space<vmem>> -> memref<50xi32, #tpu.memory_space<vmem>>
        %dma_start3A_820 = arith.constant 0 : i32
        %dma_start3A_821 = arith.constant 0 : i32
        %dma_start3A_822 = tpu.memref_slice %arg8[%dma_start3A_820, %dma_start3A_821] : memref<10x128xf32, #tpu.memory_space<vmem_shared>> -> memref<10x128xf32, #tpu.memory_space<vmem_shared>>
        tpu.enqueue_indirect_dma source(%dma_start3A_822 : memref<10x128xf32, #tpu.memory_space<vmem_shared>>) target(%dma_start3A_816 : memref<50x128xf32, #tpu.memory_space<vmem>>) offsets(%dma_start3A_819 : memref<50xi32, #tpu.memory_space<vmem>>) semaphore(%arg10 : memref<!tpu.dma_semaphore, #tpu.memory_space<semaphore_mem>>)
        %add3A_823 = arith.constant 3 : i32
        %add3A_824 = arith.addi %scan3A_535, %add3A_823 : i32
        %sub3A_825 = arith.constant 1 : i32
        %sub3A_826 = arith.subi %add3A_824, %sub3A_825 : i32
        %mul3A_827 = arith.constant 2 : i32
        %mul3A_828 = arith.muli %mul3A_827, %sub3A_826 : i32
        %add3A_829 = arith.constant 1 : i32
        %add3A_830 = arith.addi %mul3A_828, %add3A_829 : i32
        %jit3A_831 = arith.constant 3 : i32
        %eq3A_832 = arith.constant 0 : i32
        %eq3A_833 = arith.cmpi eq, %jit3A_831, %eq3A_832 : i32
        %jit3A_834 = arith.constant 1 : i32
        %select_n3A_835 = arith.select %eq3A_833, %jit3A_834, %jit3A_831 : i32
        %rem3A_836 = arith.remsi %sub3A_826, %select_n3A_835 : i32
        %ne3A_837 = arith.constant 0 : i32
        %ne3A_838 = arith.cmpi ne, %rem3A_836, %ne3A_837 : i32
        %lt3A_839 = arith.constant 0 : i32
        %lt3A_840 = arith.cmpi slt, %rem3A_836, %lt3A_839 : i32
        %lt3A_841 = arith.constant 0 : i32
        %lt3A_842 = arith.cmpi slt, %select_n3A_835, %lt3A_841 : i32
        %ne3A_843 = arith.xori %lt3A_840, %lt3A_842 : i1
        %and3A_844 = arith.andi %ne3A_843, %ne3A_838 : i1
        %add3A_845 = arith.addi %rem3A_836, %select_n3A_835 : i32
        %select_n3A_846 = arith.select %and3A_844, %add3A_845, %rem3A_836 : i32
        %dma_start3A_847 = arith.constant 1 : i32
        %dma_start3A_848 = arith.constant 0 : i32
        %dma_start3A_849 = arith.constant 0 : i32
        %dma_start3A_850 = tpu.memref_slice %arg9[%select_n3A_846, %dma_start3A_847, %dma_start3A_848, %dma_start3A_849] : memref<3x2x128x128xf32, #tpu.memory_space<vmem>> -> memref<1x1x50x128xf32, #tpu.memory_space<vmem>>
        %dma_start3A_851 = tpu.memref_squeeze %dma_start3A_850 : memref<1x1x50x128xf32, #tpu.memory_space<vmem>> -> memref<50x128xf32, #tpu.memory_space<vmem>>
        %dma_start3A_852 = arith.constant 0 : i32
        %dma_start3A_853 = tpu.memref_slice %arg7[%add3A_830, %dma_start3A_852] : memref<128x128xi32, #tpu.memory_space<vmem>> -> memref<1x50xi32, #tpu.memory_space<vmem>>
        %dma_start3A_854 = tpu.memref_squeeze %dma_start3A_853 : memref<1x50xi32, #tpu.memory_space<vmem>> -> memref<50xi32, #tpu.memory_space<vmem>>
        %dma_start3A_855 = arith.constant 0 : i32
        %dma_start3A_856 = arith.constant 0 : i32
        %dma_start3A_857 = tpu.memref_slice %arg8[%dma_start3A_855, %dma_start3A_856] : memref<10x128xf32, #tpu.memory_space<vmem_shared>> -> memref<10x128xf32, #tpu.memory_space<vmem_shared>>
        tpu.enqueue_indirect_dma source(%dma_start3A_857 : memref<10x128xf32, #tpu.memory_space<vmem_shared>>) target(%dma_start3A_851 : memref<50x128xf32, #tpu.memory_space<vmem>>) offsets(%dma_start3A_854 : memref<50xi32, #tpu.memory_space<vmem>>) semaphore(%arg10 : memref<!tpu.dma_semaphore, #tpu.memory_space<semaphore_mem>>)
      } else {
      }
      %mul3A_544 = arith.constant 2 : i32
      %mul3A_545 = arith.muli %mul3A_544, %scan3A_535 : i32
      %add3A_546 = arith.constant 0 : i32
      %add3A_547 = arith.addi %mul3A_545, %add3A_546 : i32
      %jit3A = arith.constant 3 : i32
      %eq3A_548 = arith.constant 0 : i32
      %eq3A_549 = arith.cmpi eq, %jit3A, %eq3A_548 : i32
      %jit3A_550 = arith.constant 1 : i32
      %select_n3A_551 = arith.select %eq3A_549, %jit3A_550, %jit3A : i32
      %rem3A = arith.remsi %scan3A_535, %select_n3A_551 : i32
      %ne3A = arith.constant 0 : i32
      %ne3A_552 = arith.cmpi ne, %rem3A, %ne3A : i32
      %lt3A_553 = arith.constant 0 : i32
      %lt3A_554 = arith.cmpi slt, %rem3A, %lt3A_553 : i32
      %lt3A_555 = arith.constant 0 : i32
      %lt3A_556 = arith.cmpi slt, %select_n3A_551, %lt3A_555 : i32
      %ne3A_557 = arith.xori %lt3A_554, %lt3A_556 : i1
      %and3A = arith.andi %ne3A_557, %ne3A_552 : i1
      %add3A_558 = arith.addi %rem3A, %select_n3A_551 : i32
      %select_n3A_559 = arith.select %and3A, %add3A_558, %rem3A : i32
      %dma_wait3A_560 = arith.constant 0 : i32
      %dma_wait3A_561 = arith.constant 0 : i32
      %dma_wait3A_562 = arith.constant 0 : i32
      %dma_wait3A_563 = tpu.memref_slice %arg9[%select_n3A_559, %dma_wait3A_560, %dma_wait3A_561, %dma_wait3A_562] : memref<3x2x128x128xf32, #tpu.memory_space<vmem>> -> memref<1x1x50x128xf32, #tpu.memory_space<vmem>>
      %dma_wait3A_564 = tpu.memref_squeeze %dma_wait3A_563 : memref<1x1x50x128xf32, #tpu.memory_space<vmem>> -> memref<50x128xf32, #tpu.memory_space<vmem>>
      %dma_wait3A_565 = arith.constant 0 : i32
      %dma_wait3A_566 = tpu.memref_slice %arg7[%add3A_547, %dma_wait3A_565] : memref<128x128xi32, #tpu.memory_space<vmem>> -> memref<1x50xi32, #tpu.memory_space<vmem>>
      %dma_wait3A_567 = tpu.memref_squeeze %dma_wait3A_566 : memref<1x50xi32, #tpu.memory_space<vmem>> -> memref<50xi32, #tpu.memory_space<vmem>>
      %dma_wait3A_568 = arith.constant 0 : i32
      %dma_wait3A_569 = arith.constant 0 : i32
      %dma_wait3A_570 = tpu.memref_slice %arg8[%dma_wait3A_568, %dma_wait3A_569] : memref<10x128xf32, #tpu.memory_space<vmem_shared>> -> memref<10x128xf32, #tpu.memory_space<vmem_shared>>
      tpu.wait_indirect_dma semaphore(%arg10 : memref<!tpu.dma_semaphore, #tpu.memory_space<semaphore_mem>>) src(%dma_wait3A_570 : memref<10x128xf32, #tpu.memory_space<vmem_shared>>) dst(%dma_wait3A_564 : memref<50x128xf32, #tpu.memory_space<vmem>>)
      %mul3A_571 = arith.constant 2 : i32
      %mul3A_572 = arith.muli %mul3A_571, %scan3A_535 : i32
      %add3A_573 = arith.constant 1 : i32
      %add3A_574 = arith.addi %mul3A_572, %add3A_573 : i32
      %jit3A_575 = arith.constant 3 : i32
      %eq3A_576 = arith.constant 0 : i32
      %eq3A_577 = arith.cmpi eq, %jit3A_575, %eq3A_576 : i32
      %jit3A_578 = arith.constant 1 : i32
      %select_n3A_579 = arith.select %eq3A_577, %jit3A_578, %jit3A_575 : i32
      %rem3A_580 = arith.remsi %scan3A_535, %select_n3A_579 : i32
      %ne3A_581 = arith.constant 0 : i32
      %ne3A_582 = arith.cmpi ne, %rem3A_580, %ne3A_581 : i32
      %lt3A_583 = arith.constant 0 : i32
      %lt3A_584 = arith.cmpi slt, %rem3A_580, %lt3A_583 : i32
      %lt3A_585 = arith.constant 0 : i32
      %lt3A_586 = arith.cmpi slt, %select_n3A_579, %lt3A_585 : i32
      %ne3A_587 = arith.xori %lt3A_584, %lt3A_586 : i1
      %and3A_588 = arith.andi %ne3A_587, %ne3A_582 : i1
      %add3A_589 = arith.addi %rem3A_580, %select_n3A_579 : i32
      %select_n3A_590 = arith.select %and3A_588, %add3A_589, %rem3A_580 : i32
      %dma_wait3A_591 = arith.constant 1 : i32
      %dma_wait3A_592 = arith.constant 0 : i32
      %dma_wait3A_593 = arith.constant 0 : i32
      %dma_wait3A_594 = tpu.memref_slice %arg9[%select_n3A_590, %dma_wait3A_591, %dma_wait3A_592, %dma_wait3A_593] : memref<3x2x128x128xf32, #tpu.memory_space<vmem>> -> memref<1x1x50x128xf32, #tpu.memory_space<vmem>>
      %dma_wait3A_595 = tpu.memref_squeeze %dma_wait3A_594 : memref<1x1x50x128xf32, #tpu.memory_space<vmem>> -> memref<50x128xf32, #tpu.memory_space<vmem>>
      %dma_wait3A_596 = arith.constant 0 : i32
      %dma_wait3A_597 = tpu.memref_slice %arg7[%add3A_574, %dma_wait3A_596] : memref<128x128xi32, #tpu.memory_space<vmem>> -> memref<1x50xi32, #tpu.memory_space<vmem>>
      %dma_wait3A_598 = tpu.memref_squeeze %dma_wait3A_597 : memref<1x50xi32, #tpu.memory_space<vmem>> -> memref<50xi32, #tpu.memory_space<vmem>>
      %dma_wait3A_599 = arith.constant 0 : i32
      %dma_wait3A_600 = arith.constant 0 : i32
      %dma_wait3A_601 = tpu.memref_slice %arg8[%dma_wait3A_599, %dma_wait3A_600] : memref<10x128xf32, #tpu.memory_space<vmem_shared>> -> memref<10x128xf32, #tpu.memory_space<vmem_shared>>
      tpu.wait_indirect_dma semaphore(%arg10 : memref<!tpu.dma_semaphore, #tpu.memory_space<semaphore_mem>>) src(%dma_wait3A_601 : memref<10x128xf32, #tpu.memory_space<vmem_shared>>) dst(%dma_wait3A_595 : memref<50x128xf32, #tpu.memory_space<vmem>>)
      %jit3A_602 = arith.constant 3 : i32
      %eq3A_603 = arith.constant 0 : i32
      %eq3A_604 = arith.cmpi eq, %jit3A_602, %eq3A_603 : i32
      %jit3A_605 = arith.constant 1 : i32
      %select_n3A_606 = arith.select %eq3A_604, %jit3A_605, %jit3A_602 : i32
      %rem3A_607 = arith.remsi %scan3A_535, %select_n3A_606 : i32
      %ne3A_608 = arith.constant 0 : i32
      %ne3A_609 = arith.cmpi ne, %rem3A_607, %ne3A_608 : i32
      %lt3A_610 = arith.constant 0 : i32
      %lt3A_611 = arith.cmpi slt, %rem3A_607, %lt3A_610 : i32
      %lt3A_612 = arith.constant 0 : i32
      %lt3A_613 = arith.cmpi slt, %select_n3A_606, %lt3A_612 : i32
      %ne3A_614 = arith.xori %lt3A_611, %lt3A_613 : i1
      %and3A_615 = arith.andi %ne3A_614, %ne3A_609 : i1
      %add3A_616 = arith.addi %rem3A_607, %select_n3A_606 : i32
      %select_n3A_617 = arith.select %and3A_615, %add3A_616, %rem3A_607 : i32
      %mul3A_618 = arith.constant 2 : i32
      %mul3A_619 = arith.muli %mul3A_618, %scan3A_535 : i32
      %add3A_620 = arith.addi %mul3A_2, %mul3A_619 : i32
      %dma_start3A_621 = arith.constant 0 : i32
      %dma_start3A_622 = arith.constant 0 : i32
      %dma_start3A_623 = arith.constant 0 : i32
      %dma_start3A_624 = tpu.memref_slice %arg9[%select_n3A_617, %dma_start3A_621, %dma_start3A_622, %dma_start3A_623] : memref<3x2x128x128xf32, #tpu.memory_space<vmem>> -> memref<1x2x128x128xf32, #tpu.memory_space<vmem>>
      %dma_start3A_625 = tpu.memref_squeeze %dma_start3A_624 : memref<1x2x128x128xf32, #tpu.memory_space<vmem>> -> memref<2x128x128xf32, #tpu.memory_space<vmem>>
      %dma_start3A_626 = arith.constant 0 : i32
      %dma_start3A_627 = arith.constant 0 : i32
      %dma_start3A_628 = tpu.memref_slice %arg5[%add3A_620, %dma_start3A_626, %dma_start3A_627] : memref<4096x128x128xf32, #tpu.memory_space<hbm>> -> memref<2x128x128xf32, #tpu.memory_space<hbm>>
      %dma_start3A_629 = arith.constant 0 : i32
      %dma_start3A_630 = arith.constant 0 : i32
      %dma_start3A_631 = tpu.memref_slice %arg5[%add3A_620, %dma_start3A_629, %dma_start3A_630] : memref<4096x128x128xf32, #tpu.memory_space<hbm>> -> memref<2x128x128xf32, #tpu.memory_space<hbm>>
      %dma_start3A_632 = arith.constant 0 : i32
      %dma_start3A_633 = arith.constant 0 : i32
      %dma_start3A_634 = arith.constant 0 : i32
      %dma_start3A_635 = tpu.memref_slice %arg9[%select_n3A_617, %dma_start3A_632, %dma_start3A_633, %dma_start3A_634] : memref<3x2x128x128xf32, #tpu.memory_space<vmem>> -> memref<1x2x128x128xf32, #tpu.memory_space<vmem>>
      %dma_start3A_636 = tpu.memref_squeeze %dma_start3A_635 : memref<1x2x128x128xf32, #tpu.memory_space<vmem>> -> memref<2x128x128xf32, #tpu.memory_space<vmem>>
      tpu.enqueue_dma source(%dma_start3A_636 : memref<2x128x128xf32, #tpu.memory_space<vmem>>) target(%dma_start3A_631 : memref<2x128x128xf32, #tpu.memory_space<hbm>>) target_semaphore(%arg11 : memref<!tpu.dma_semaphore, #tpu.memory_space<semaphore_mem>>)
      %eq3A_637 = arith.constant 62 : i32
      %eq3A_638 = arith.cmpi eq, %scan3A_535, %eq3A_637 : i32
      %convert_element_type3A_639 = arith.extui %eq3A_638 : i1 to i32
      %cond3A_640 = arith.constant 0 : i32
      %cond3A_641 = arith.cmpi ne, %convert_element_type3A_639, %cond3A_640 : i32
      scf.if %cond3A_641 {
        %dma_start3A_642 = arith.constant 0 : i32
        %dma_start3A_643 = tpu.memref_slice %arg4[%mul3A_2, %dma_start3A_642] : memref<4096x128xi32, #tpu.memory_space<hbm>> -> memref<128x128xi32, #tpu.memory_space<hbm>>
        %dma_start3A_644 = arith.constant 0 : i32
        %dma_start3A_645 = tpu.memref_slice %arg4[%mul3A_2, %dma_start3A_644] : memref<4096x128xi32, #tpu.memory_space<hbm>> -> memref<128x128xi32, #tpu.memory_space<hbm>>
        tpu.enqueue_dma source(%arg7 : memref<128x128xi32, #tpu.memory_space<vmem>>) target(%dma_start3A_645 : memref<128x128xi32, #tpu.memory_space<hbm>>) target_semaphore(%arg12 : memref<!tpu.dma_semaphore, #tpu.memory_space<semaphore_mem>>)
      } else {
      }
    }
    %scan3A_473 = arith.constant 64 : i32
    %add3A_474 = arith.constant 122 : i32
    %add3A_475 = arith.addi %mul3A_2, %add3A_474 : i32
    %dma_wait3A_476 = arith.constant 1 : i32
    %dma_wait3A_477 = arith.constant 0 : i32
    %dma_wait3A_478 = arith.constant 0 : i32
    %dma_wait3A_479 = arith.constant 0 : i32
    %dma_wait3A_480 = tpu.memref_slice %arg9[%dma_wait3A_476, %dma_wait3A_477, %dma_wait3A_478, %dma_wait3A_479] : memref<3x2x128x128xf32, #tpu.memory_space<vmem>> -> memref<1x2x128x128xf32, #tpu.memory_space<vmem>>
    %dma_wait3A_481 = tpu.memref_squeeze %dma_wait3A_480 : memref<1x2x128x128xf32, #tpu.memory_space<vmem>> -> memref<2x128x128xf32, #tpu.memory_space<vmem>>
    %dma_wait3A_482 = arith.constant 0 : i32
    %dma_wait3A_483 = arith.constant 0 : i32
    %dma_wait3A_484 = tpu.memref_slice %arg5[%add3A_475, %dma_wait3A_482, %dma_wait3A_483] : memref<4096x128x128xf32, #tpu.memory_space<hbm>> -> memref<2x128x128xf32, #tpu.memory_space<hbm>>
    %dma_wait3A_485 = arith.constant 0 : i32
    %dma_wait3A_486 = arith.constant 0 : i32
    %dma_wait3A_487 = tpu.memref_slice %arg5[%add3A_475, %dma_wait3A_485, %dma_wait3A_486] : memref<4096x128x128xf32, #tpu.memory_space<hbm>> -> memref<2x128x128xf32, #tpu.memory_space<hbm>>
    %dma_wait3A_488 = arith.constant 0 : i32
    %dma_wait3A_489 = arith.constant 0 : i32
    %dma_wait3A_490 = arith.constant 0 : i32
    %dma_wait3A_491 = tpu.memref_slice %arg9[%dma_wait3A_476, %dma_wait3A_488, %dma_wait3A_489, %dma_wait3A_490] : memref<3x2x128x128xf32, #tpu.memory_space<vmem>> -> memref<1x2x128x128xf32, #tpu.memory_space<vmem>>
    %dma_wait3A_492 = tpu.memref_squeeze %dma_wait3A_491 : memref<1x2x128x128xf32, #tpu.memory_space<vmem>> -> memref<2x128x128xf32, #tpu.memory_space<vmem>>
    tpu.wait_dma2 semaphore(%arg11 : memref<!tpu.dma_semaphore, #tpu.memory_space<semaphore_mem>>) src(%dma_wait3A_492 : memref<2x128x128xf32, #tpu.memory_space<vmem>>) dst(%dma_wait3A_487 : memref<2x128x128xf32, #tpu.memory_space<hbm>>)
    %add3A_493 = arith.constant 124 : i32
    %add3A_494 = arith.addi %mul3A_2, %add3A_493 : i32
    %dma_wait3A_495 = arith.constant 2 : i32
    %dma_wait3A_496 = arith.constant 0 : i32
    %dma_wait3A_497 = arith.constant 0 : i32
    %dma_wait3A_498 = arith.constant 0 : i32
    %dma_wait3A_499 = tpu.memref_slice %arg9[%dma_wait3A_495, %dma_wait3A_496, %dma_wait3A_497, %dma_wait3A_498] : memref<3x2x128x128xf32, #tpu.memory_space<vmem>> -> memref<1x2x128x128xf32, #tpu.memory_space<vmem>>
    %dma_wait3A_500 = tpu.memref_squeeze %dma_wait3A_499 : memref<1x2x128x128xf32, #tpu.memory_space<vmem>> -> memref<2x128x128xf32, #tpu.memory_space<vmem>>
    %dma_wait3A_501 = arith.constant 0 : i32
    %dma_wait3A_502 = arith.constant 0 : i32
    %dma_wait3A_503 = tpu.memref_slice %arg5[%add3A_494, %dma_wait3A_501, %dma_wait3A_502] : memref<4096x128x128xf32, #tpu.memory_space<hbm>> -> memref<2x128x128xf32, #tpu.memory_space<hbm>>
    %dma_wait3A_504 = arith.constant 0 : i32
    %dma_wait3A_505 = arith.constant 0 : i32
    %dma_wait3A_506 = tpu.memref_slice %arg5[%add3A_494, %dma_wait3A_504, %dma_wait3A_505] : memref<4096x128x128xf32, #tpu.memory_space<hbm>> -> memref<2x128x128xf32, #tpu.memory_space<hbm>>
    %dma_wait3A_507 = arith.constant 0 : i32
    %dma_wait3A_508 = arith.constant 0 : i32
    %dma_wait3A_509 = arith.constant 0 : i32
    %dma_wait3A_510 = tpu.memref_slice %arg9[%dma_wait3A_495, %dma_wait3A_507, %dma_wait3A_508, %dma_wait3A_509] : memref<3x2x128x128xf32, #tpu.memory_space<vmem>> -> memref<1x2x128x128xf32, #tpu.memory_space<vmem>>
    %dma_wait3A_511 = tpu.memref_squeeze %dma_wait3A_510 : memref<1x2x128x128xf32, #tpu.memory_space<vmem>> -> memref<2x128x128xf32, #tpu.memory_space<vmem>>
    tpu.wait_dma2 semaphore(%arg11 : memref<!tpu.dma_semaphore, #tpu.memory_space<semaphore_mem>>) src(%dma_wait3A_511 : memref<2x128x128xf32, #tpu.memory_space<vmem>>) dst(%dma_wait3A_506 : memref<2x128x128xf32, #tpu.memory_space<hbm>>)
    %add3A_512 = arith.constant 126 : i32
    %add3A_513 = arith.addi %mul3A_2, %add3A_512 : i32
    %dma_wait3A_514 = arith.constant 0 : i32
    %dma_wait3A_515 = arith.constant 0 : i32
    %dma_wait3A_516 = arith.constant 0 : i32
    %dma_wait3A_517 = arith.constant 0 : i32
    %dma_wait3A_518 = tpu.memref_slice %arg9[%dma_wait3A_514, %dma_wait3A_515, %dma_wait3A_516, %dma_wait3A_517] : memref<3x2x128x128xf32, #tpu.memory_space<vmem>> -> memref<1x2x128x128xf32, #tpu.memory_space<vmem>>
    %dma_wait3A_519 = tpu.memref_squeeze %dma_wait3A_518 : memref<1x2x128x128xf32, #tpu.memory_space<vmem>> -> memref<2x128x128xf32, #tpu.memory_space<vmem>>
    %dma_wait3A_520 = arith.constant 0 : i32
    %dma_wait3A_521 = arith.constant 0 : i32
    %dma_wait3A_522 = tpu.memref_slice %arg5[%add3A_513, %dma_wait3A_520, %dma_wait3A_521] : memref<4096x128x128xf32, #tpu.memory_space<hbm>> -> memref<2x128x128xf32, #tpu.memory_space<hbm>>
    %dma_wait3A_523 = arith.constant 0 : i32
    %dma_wait3A_524 = arith.constant 0 : i32
    %dma_wait3A_525 = tpu.memref_slice %arg5[%add3A_513, %dma_wait3A_523, %dma_wait3A_524] : memref<4096x128x128xf32, #tpu.memory_space<hbm>> -> memref<2x128x128xf32, #tpu.memory_space<hbm>>
    %dma_wait3A_526 = arith.constant 0 : i32
    %dma_wait3A_527 = arith.constant 0 : i32
    %dma_wait3A_528 = arith.constant 0 : i32
    %dma_wait3A_529 = tpu.memref_slice %arg9[%dma_wait3A_514, %dma_wait3A_526, %dma_wait3A_527, %dma_wait3A_528] : memref<3x2x128x128xf32, #tpu.memory_space<vmem>> -> memref<1x2x128x128xf32, #tpu.memory_space<vmem>>
    %dma_wait3A_530 = tpu.memref_squeeze %dma_wait3A_529 : memref<1x2x128x128xf32, #tpu.memory_space<vmem>> -> memref<2x128x128xf32, #tpu.memory_space<vmem>>
    tpu.wait_dma2 semaphore(%arg11 : memref<!tpu.dma_semaphore, #tpu.memory_space<semaphore_mem>>) src(%dma_wait3A_530 : memref<2x128x128xf32, #tpu.memory_space<vmem>>) dst(%dma_wait3A_525 : memref<2x128x128xf32, #tpu.memory_space<hbm>>)
    %dma_wait3A_531 = arith.constant 0 : i32
    %dma_wait3A_532 = tpu.memref_slice %arg4[%mul3A_2, %dma_wait3A_531] : memref<4096x128xi32, #tpu.memory_space<hbm>> -> memref<128x128xi32, #tpu.memory_space<hbm>>
    %dma_wait3A_533 = arith.constant 0 : i32
    %dma_wait3A_534 = tpu.memref_slice %arg4[%mul3A_2, %dma_wait3A_533] : memref<4096x128xi32, #tpu.memory_space<hbm>> -> memref<128x128xi32, #tpu.memory_space<hbm>>
    tpu.wait_dma2 semaphore(%arg12 : memref<!tpu.dma_semaphore, #tpu.memory_space<semaphore_mem>>) src(%arg7 : memref<128x128xi32, #tpu.memory_space<vmem>>) dst(%dma_wait3A_534 : memref<128x128xi32, #tpu.memory_space<hbm>>)
    return
  }
}

</mosaic_0001>

<sc_bundles>
// kernel: kernel.3.cloned.1.call-start
scs
__scs_entry_jumppad:
0x0: {  	(pc) =	sbr.rel $0x88, $3  }
0x1: {  	(tag) =	ssettag $0x0;
	lr =	simm.s32 $0x1  }
0x2: {  	[smem:$0x3F9F] =	sst lr;
	_ =	strace $0xD0000000  }
0x3: {  	_ = 	snop  }
0x4: {  	_ = 	snop  }
0x5: {  	_ = 	snop  }
0x6: {  	_ = 	snop  }
0x7: {  	_ = 	snop  }
__scs_overlays_trampoline_lowered:
0x8: {  	[smem:$0x3FAE] =	sst s0  }
0x9: {  	[smem:$0x3FAF] =	sst s1  }
0xa: {  	[smem:$0x3FB0] =	sst s2  }
0xb: {  	[smem:$0x3FB1] =	sst s3  }
0xc: {  	[smem:$0x3FB2] =	sst s4  }
0xd: {  	[smem:$0x3FB3] =	sst s5  }
0xe: {  	[smem:$0x3FB4] =	sst s6  }
0xf: {  	[smem:$0x3FB5] =	sst s7  }
0x10: {  	[smem:$0x3FB6] =	sst s8  }
0x11: {  	[smem:$0x3FB7] =	sst s9;
	s0 =	simm.s32 @!p0 $0x0  }
0x12: {  	s1 =	sld [smem:$0x3F9D];
	s0 =	simm.s32 @p0 $0x1  }
0x13: {  	[smem:$0x3FB8] =	sst s0;
	s0 =	simm.s32 @!p1 $0x0  }
0x14: {  	s2 =	sld [smem:$0x3F9C];
	s0 =	simm.s32 @p1 $0x1  }
0x15: {  	[smem:$0x3FB9] =	sst s0;
	s0 =	simm.s32 @!p2 $0x0  }
0x16: {  	s3 =	sld [smem:$0x3FDB];
	s0 =	simm.s32 @p2 $0x1  }
0x17: {  	s4 =	simm.s32 $0x1BF5;
	[smem:$0x3FBB] =	sst s0  }
0x18: {  	s0 =	sld [smem:$0x3F9E];
	_ =	swait.ge [sflag:s4], $0x0  }
0x19: {  	s7 =	sld [smem:$0x3F9F]  }
0x1a: {  	s8 =	sadd.s32 $0xFFFFE003, lr  }
0x1b: {  	s9 =	sadd.s32 $0xFFFFFEF7, lr;
	s5 =	simm.s32 $0xFFFFFFFF;
	p2 =	slt.u32 s8, $0xFFFFF086  }
0x1c: {  	p1 =	slt.u32 s9, $0xF7A;
	s5 =	simm.s32 @!p2 $0x0  }
0x1d: {  	s5 =	simm.s32 @p1 $0x1;
	p0 =	seq.s32 s7, s2  }
0x1e: {  	s7 =	smul.u32 @!p0 $0xF7A, s2;
	p2 =	seq.s32 @!p0 s5, $0x0  }
0x1f: {  	s9 =	smul.u32 $0xF7A, s1;
	s8 =	simm.s32 @!p0 $0x1BF5;
	p2 =	por !p2, p0  }
0x20: {  	[sflag:s8] =	ssyncset.s32 @!p0 $0xFFFFF086;
	s6 =	sadd.s32 @!p0 s3, s7;
	s7 =	simm.s32 @!p0 $0x108  }
0x21: {  	s3 =	sadd.s32 s3, s9;
	s6 =	sadd.s32 @!p0 $0x88, s6;
	s7 =	simm.s32 @p2 $0x1082  }
0x22: {  	[simem:s7], [sflag:s8] =	dma.local @!p0 [hbm:s6], $0xF7A  }
0x23: {  	s9 =	sor.u32 $0xD0000000, s2;
	s6 =	simm.s32 $0x108;
	_ =	swait.ge @!p0 [sflag:s8], $0x0  }
0x24: {  	s3 =	sadd.s32 $0x88, s3;
	s6 =	simm.s32 @!p1 $0x1082;
	[sflag:s4] =	ssyncset.s32 $0xFFFFF086  }
0x25: {  	[simem:s6], [sflag:s4] =	dma.local [hbm:s3], $0xF7A  }
0x26: {  	[smem:$0x3F9F] =	sst s1;
	(tag) =	ssettag s2;
	_ =	strace s9  }
0x27: {  	s1 =	sld [smem:$0x3FAF]  }
0x28: {  	s2 =	sld [smem:$0x3FB0]  }
0x29: {  	s4 =	sld [smem:$0x3FB2]  }
0x2a: {  	p0 =	seq.s32 s5, $0x0;
	s5 =	sld [smem:$0x3FB3]  }
0x2b: {  	s6 =	sld [smem:$0x3FB4]  }
0x2c: {  	s7 =	sld [smem:$0x3FB5]  }
0x2d: {  	s3 =	simm.s32 $0x108;
	s8 =	sld [smem:$0x3FB6]  }
0x2e: {  	s3 =	simm.s32 @!p0 $0x1082;
	s9 =	sld [smem:$0x3FB7]  }
0x2f: {  	lr =	sadd.s32 s0, s3;
	s0 =	sld [smem:$0x3FAE]  }
0x30: {  	s3 =	sld [smem:$0x3FB1]  }
0x31: {  	[smem:$0x3FBA] =	sst s10  }
0x32: {  	s10 =	sld [smem:$0x3FB8];
	_ =	sdelay $0x3  }
0x33: {  	p0 =	seq.s32 s10, $0x1;
	s10 =	sld [smem:$0x3FBA];
	_ =	sdelay $0x3  }
0x34: {  	[smem:$0x3FBA] =	sst s10  }
0x35: {  	s10 =	sld [smem:$0x3FB9];
	_ =	sdelay $0x3  }
0x36: {  	p1 =	seq.s32 s10, $0x1;
	s10 =	sld [smem:$0x3FBA];
	_ =	sdelay $0x3  }
0x37: {  	[smem:$0x3FBA] =	sst s10  }
0x38: {  	s10 =	sld [smem:$0x3FBB]  }
0x39: {  	_ = 	snop;
	(pc) =	sbr.ind lr, $3  }
0x3a: {  	_ = 	snop  }
0x3b: {  	_ = 	snop  }
0x3c: {  	p2 =	seq.s32 s10, $0x1;
	s10 =	sld [smem:$0x3FBA]  }
0x3d: {  	_ =	shalt  }
0x3e: {  	_ =	shalt  }
0x3f: {  	_ =	shalt  }
0x40: {  	_ =	shalt  }
0x41: {  	_ =	shalt  }
0x42: {  	_ =	shalt  }
0x43: {  	_ =	shalt  }
0x44: {  	_ =	shalt  }
0x45: {  	_ =	shalt  }
0x46: {  	_ =	shalt  }
0x47: {  	_ =	shalt  }
0x48: {  	_ =	shalt  }
0x49: {  	_ =	shalt  }
0x4a: {  	_ =	shalt  }
0x4b: {  	_ =	shalt  }
0x4c: {  	_ =	shalt  }
0x4d: {  	_ =	shalt  }
0x4e: {  	_ =	shalt  }
0x4f: {  	_ =	shalt  }
0x50: {  	_ =	shalt  }
0x51: {  	_ =	shalt  }
0x52: {  	_ =	shalt  }
0x53: {  	_ =	shalt  }
0x54: {  	_ =	shalt  }
0x55: {  	_ =	shalt  }
0x56: {  	_ =	shalt  }
0x57: {  	_ =	shalt  }
0x58: {  	_ =	shalt  }
0x59: {  	_ =	shalt  }
0x5a: {  	_ =	shalt  }
0x5b: {  	_ =	shalt  }
0x5c: {  	_ =	shalt  }
0x5d: {  	_ =	shalt  }
0x5e: {  	_ =	shalt  }
0x5f: {  	_ =	shalt  }
0x60: {  	_ =	shalt  }
0x61: {  	_ =	shalt  }
0x62: {  	_ =	shalt  }
0x63: {  	_ =	shalt  }
0x64: {  	_ =	shalt  }
0x65: {  	_ =	shalt  }
0x66: {  	_ =	shalt  }
0x67: {  	_ =	shalt  }
0x68: {  	_ =	shalt  }
0x69: {  	_ =	shalt  }
0x6a: {  	_ =	shalt  }
0x6b: {  	_ =	shalt  }
0x6c: {  	_ =	shalt  }
0x6d: {  	_ =	shalt  }
0x6e: {  	_ =	shalt  }
0x6f: {  	_ =	shalt  }
0x70: {  	_ =	shalt  }
0x71: {  	_ =	shalt  }
0x72: {  	_ =	shalt  }
0x73: {  	_ =	shalt  }
0x74: {  	_ =	shalt  }
0x75: {  	_ =	shalt  }
0x76: {  	_ =	shalt  }
0x77: {  	_ =	shalt  }
0x78: {  	_ =	shalt  }
0x79: {  	_ =	shalt  }
0x7a: {  	_ =	shalt  }
0x7b: {  	_ =	shalt  }
0x7c: {  	_ =	shalt  }
0x7d: {  	_ =	shalt  }
0x7e: {  	_ =	shalt  }
0x7f: {  	_ =	shalt  }
0x80: {  	_ =	shalt  }
0x81: {  	_ =	shalt  }
0x82: {  	_ =	shalt  }
0x83: {  	_ =	shalt  }
0x84: {  	_ =	shalt  }
0x85: {  	_ =	shalt  }
0x86: {  	_ =	shalt  }
0x87: {  	_ =	shalt  }
.Lfunc_end0:
.L_simem_size_0:
called_computation_lowered:
.L_overlay_start_0:
0x88: {  	s2 =	sld [smem:$0x3FD9]  }
0x89: {  	s3 =	sld [smem:$0x3FFE];
	_ =	sdelay $0x1  }
0x8a: {  	s1 =	srdreg.scid  }
0x8b: {  	s0 =	sand.u32 $0x1, s1  }
0x8c: {  	s14 =	sshll.u32 s0, $0xA;
	s2 =	sadd.s32 s3, s2  }
0x8d: {  	s2 =	sadd.s32 s2, s14  }
0x8e: {  	[smem:$0x3FC6] =	sst s2  }
0x8f: {  	_ = 	snop  }
0x90: {  	s2 =	sld [smem:$0x3FD0];
	_ =	sdelay $0x2  }
0x91: {  	s4 =	simm.s32 $0xA;
	s5 =	simm.s32 $0x10;
	s15 =	sld [smem:$0x3FC8]  }
0x92: {  	[smem:s5], [sflag:s4] =	dma.local [hbm:s2], $0x1  }
0x93: {  	_ =	swait.eq [sflag:s4], $0x1  }
0x94: {  	[sflag:s4] =	ssyncset.done $0x0  }
0x95: {  	s16 =	sld [smem:$0x10];
	[sflag:s4] =	ssyncadd.s32 $0xFFFFFFFF  }
0x96: {  	s17 =	sld [smem:$0x11];
	(tm) =	ssettm $0x1  }
0x97: {  	s18 =	sld [smem:$0x3FFB];
	_ =	sdelay $0x3  }
0x98: {  	_ =	strace s18  }
0x99: {  	s5 =	sld [smem:$0x3FFC];
	_ =	sdelay $0x3  }
0x9a: {  	_ =	strace s5  }
0x9b: {  	s5 =	sld [smem:$0x3FFD];
	_ =	sdelay $0x3  }
0x9c: {  	_ =	strace s5  }
0x9d: {  	_ =	strace $0x8FFFFFFF  }
0x9e: {  	s19 =	sld [smem:$0x3FDB];
	_ =	sdelay $0x1  }
0x9f: {  	s6 =	simm.s32 $_scs_section_size  }
0xa0: {  	s7 =	simm.s32 $_size__tile_overlayer_lowered;
	s8 =	simm.s32 $_tile_overlayer_lowered  }
0xa1: {  	s22 =	simm.s32 $0x1BFF;
	s21 =	sshll.u32 s8, $0x1;
	s5 =	sadd.s32 s6, s19  }
0xa2: {  	s9 =	simm.s32 $0x0;
	s20 =	sshll.u32 s7, $0x1;
	s7 =	sadd.s32 s21, s5  }
0xa3: {  	[timem:s9], [sflag:s22] =	dma.local [hbm:s7], s20  }
0xa4: {  	_ =	swait.ge [sflag:s22], s20  }
0xa5: {  	s6 =	ssub.s32 $0x0, s20;
	[sflag:s22] =	ssyncset.done $0x0  }
0xa6: {  	[sflag:s22] =	ssyncadd.s32 s6;
	_ =	sdelay $0x1  }
0xa7: {  	s23 =	simm.s32 $0x1B8B  }
0xa8: {  	_ =	swait.ge [sflag:s23], $0x1  }
0xa9: {  	[sflag:s23] =	ssyncset.done $0x0  }
0xaa: {  	s25 =	simm.s32 $0x1B8E;
	s24 =	sld [smem:$0x3FFE];
	[sflag:s23] =	ssyncadd.s32 $0xFFFFFFFF  }
0xab: {  	s26 =	simm.s32 $execute0_lowered;
	[smem:$0x3FD2] =	sst s25  }
0xac: {  	s7 =	sshll.u32 s26, $0x1;
	_ =	strace $0x80000046;
	[dreg:$0x1] =	wrdreg $0xFFFFFFFF  }
0xad: {  	s28 =	simm.s32 $_size_execute0_lowered;
	s5 =	sadd.s32 s5, s7;
	[dreg:$0x0] =	wrdreg $0x0  }
0xae: {  	s7 =	sshll.u32 s28, $0x1;
	[dreg:$0x2] =	wrdreg s5  }
0xaf: {  	[dreg:$0x3] =	wrdreg s7  }
0xb0: {  	[dreg:$0x4] =	wrdreg $0xC0  }
0xb1: {  	_ =	task [dreg:s9], $0x5FFFF  }
0xb2: {  	[dreg:$0x1] =	wrdreg $0xFFFFFFFF  }
0xb3: {  	[dreg:$0x0] =	wrdreg $0x60  }
0xb4: {  	[dreg:$0x2] =	wrdreg s24  }
0xb5: {  	[dreg:$0x3] =	wrdreg s15  }
0xb6: {  	[dreg:$0x4] =	wrdreg s16  }
0xb7: {  	[dreg:$0x5] =	wrdreg s17  }
0xb8: {  	[dreg:$0x6] =	wrdreg $0x59800  }
0xb9: {  	[dreg:$0x7] =	wrdreg $0x9  }
0xba: {  	_ =	task.clear_ibuf [dreg:s9], $0x8FFFF;
	_ =	strace $0x90000046  }
0xbb: {  	s29 =	simm.s32 $0x9;
	_ =	strace $0x80000048  }
0xbc: {  	_ =	swait.ge [sflag:s29], $0x1  }
0xbd: {  	[sflag:s29] =	ssyncadd.s32 $0xFFFFFFFF  }
0xbe: {  	_ =	strace $0x90000048  }
0xbf: {  	_ =	sfence  }
0xc0: {  	s30 =	sld [smem:$0x0];
	_ =	sdelay $0x2  }
0xc1: {  	s31 =	sshll.u32 s1, $0xD;
	s1 =	sshrl.u32 s1, $0x2  }
0xc2: {  	s3 =	sand.u32 $0x4000, s31;
	s1 =	sadd.s32 s1, s30  }
0xc3: {  	s0 =	sor.u32 s3, s0;
	s1 =	sshll.u32 s1, $0x11  }
0xc4: {  	s0 =	sor.u32 s1, s0  }
0xc5: {  	s0 =	sadd.s32 $0x8F2B, s0  }
0xc6: {  	[sflag:s0] =	ssyncadd.remote.s32 $0x1  }
0xc7: {  	_ =	sfence.sel $0xFFFF  }
0xc8: {  	[dreg:$0x0] =	wrdreg $0xFFFFFFFF;
	(pc) =	sbr.abs _section_cstart, $3  }
0xc9: {  	[dreg:$0x1] =	wrdreg $0xFFFFFFFF  }
0xca: {  	_ =	task.clear_ibuf [dreg:s9], $0x2FFFF;
	_ =	strace $0x9FFFFFFF  }
0xcb: {  	(tm) =	ssettm $0x7FFFFFFF  }
tec
execute0_lowered:
.L_overlay_start_1:
0x0: {  	(tag) =	ssettag $0x1  }
0x1: {  	s0 =	rddreg [dreg:$0x0]  }
0x2: {  	s1 =	rddreg [dreg:$0x2]  }
0x3: {  	s5 =	rddreg [dreg:$0x3];
	s3 =	srdreg.scid  }
0x4: {  	s6 =	stileid.u32;
	s2 =	rddreg [dreg:$0x4]  }
0x5: {  	s17 =	simm.s32 $0x32;
	s25 =	simm.s32 $0x119D0;
	s28 =	simm.s32 $0x1  }
0x6: {  	s29 =	simm.s32 $0x0;
	s7 =	sand.u32 $0x1, s3;
	s4 =	sshll.u32 s6, $0x1  }
0x7: {  	s3 =	simm.s32 $0x0;
	s30 =	sshll.u32 s6, $0x13;
	p0 =	sne.s32 s6, $0x0  }
0x8: {  	s4 =	sor.u32 s7, s4;
	[smem:$0x7FF] =	sst s3;
	s9 =	ssub.s32 $0x2, s7  }
0x9: {  	s31 =	sshll.u32 s7, $0x12;
	s7 =	sshrl.u32 @!p0 s2, $0x3;
	s8 =	smul.u32 $0x320, s4  }
0xa: {  	_ =	strace $0x80000047;
	s10 =	sshrl.u32 s9, $0x1;
	s4 =	sshll.u32 s4, $0xB  }
0xb: {  	s26 =	ssub.s32 s9, s10;
	s1 =	sadd.s32 s1, s4;
	s9 =	simm.s32 $0x4E  }
0xc: {  	s10 =	simm.s32 $0x19B2;
	s0 =	sadd.s32 s8, s0;
	[dreg:$0x6] =	wrdreg s1  }
0xd: {  	s8 =	simm.s32 $0x3;
	s4 =	sadd.s32 $0x600, s0;
	s0 =	sadd.s32 s30, s5  }
0xe: {  	vm0 =	vmmov $0x3;
	v0 =	vimm.s32 $0x9;
	s5 =	smax.u32 s26, $0x1;
	s26 =	simm.s32 $0x2;
	s15 =	sadd.s32 s31, s0  }
.LBB2_1:
0xf: {  	[tilespmem:s3], [sflag:$0x3] =	stream.linear.gather [hbm4b:s4+s3], $0x1900, $0x38;
	[tilespmem:$0x1D9D0] =	vst v63  }
0x10: {  	s0 =	simm.s32 @!p0 $0x1C04;
	s1 =	rddreg [dreg:$0x1]  }
0x11: {  	[spmem:s7], [sflag:s0] =	dma.local @!p0 [hbm:s1], $0xA0  }
0x12: {  	s0 =	simm.s32 @!p0 $0x4  }
0x13: {  	_ =	swait.ge @!p0 [sflag:s0], $0xA0  }
0x14: {  	[sflag:s0] =	ssyncset.done @!p0 $0x0  }
0x15: {  	[sflag:s0] =	ssyncadd.s32 @!p0 $0xFFFFFF60  }
0x16: {  	[bflag:$0x0] =	sbarrier.arrive $0xFFFF  }
0x17: {  	_ =	swait.ge [sflag:s8], $0x1900  }
0x18: {  	[sflag:s8] =	ssyncset.done $0x0  }
0x19: {  	[sflag:s8] =	ssyncadd.s32 $0xFFFFE700  }
0x1a: {  	v1 =	vld [tilespmem:$0x0]  }
0x1b: {  	v2 =	vld [tilespmem:$0x10]  }
0x1c: {  	v3 =	vld [tilespmem:$0x20];
	[tilespmem:$0x19C0] =	vst v0  }
0x1d: {  	v4 =	vld [tilespmem:$0x30];
	[tilespmem:$0x19D0] =	vst v0  }
0x1e: {  	[tilespmem:$0x19E0] =	vst v0  }
0x1f: {  	[tilespmem:$0x19F0] =	vst v0  }
0x20: {  	[tilespmem:$0x1980] =	vst v1  }
0x21: {  	[tilespmem:$0x1990] =	vst v2  }
0x22: {  	[tilespmem:$0x19A0] =	vst v3;
	v1 =	vnsel vm0, $0x9, v4  }
0x23: {  	s1 =	simm.s32 $0x72D0;
	[tilespmem:$0x19B0] =	vst v1  }
0x24: {  	[tilespmem:s1], [sflag:$0x2] =	stream.indirect.gather [spmem:s2], $0x80, s10, s9, $0xb8;
	[tilespmem:$0x1D9D0] =	vst v63  }
0x25: {  	s6 =	simm.s32 $0xB2D0  }
0x26: {  	[tilespmem:s6], [sflag:$0x2] =	stream.indirect.gather [spmem:s2], $0x80, s10, s9, $0xb8;
	[tilespmem:$0x1D9D0] =	vst v63  }
0x27: {  	s11 =	simm.s32 $0xF2D0  }
0x28: {  	[tilespmem:s11], [sflag:$0x2] =	stream.indirect.gather [spmem:s2], $0x80, s10, s9, $0xb8;
	[tilespmem:$0x1D9D0] =	vst v63  }
0x29: {  	s12 =	simm.s32 $0x132D0  }
0x2a: {  	[tilespmem:s12], [sflag:$0x2] =	stream.indirect.gather [spmem:s2], $0x80, s10, s9, $0xb8;
	[tilespmem:$0x1D9D0] =	vst v63  }
0x2b: {  	s13 =	simm.s32 $0x172D0  }
0x2c: {  	[tilespmem:s13], [sflag:$0x2] =	stream.indirect.gather [spmem:s2], $0x80, s10, s9, $0xb8;
	[tilespmem:$0x1D9D0] =	vst v63  }
0x2d: {  	s14 =	simm.s32 $0x1B2D0  }
0x2e: {  	[tilespmem:s14], [sflag:$0x2] =	stream.indirect.gather [spmem:s2], $0x80, s10, s9, $0xb8;
	[tilespmem:$0x1D9D0] =	vst v63  }
0x2f: {  	s16 =	simm.s32 $0x1980;
	s18 =	simm.s32 $0x59D0  }
0x30: {  	[tilespmem:s18], [sflag:$0x1] =	stream.indirect.gather [spmem:s2], $0x80, s16, s17, $0xb8;
	[tilespmem:$0x1D9D0] =	vst v63  }
0x31: {  	v1 =	vld [tilespmem:$0x32]  }
0x32: {  	v2 =	vld [tilespmem:$0x42]  }
0x33: {  	v3 =	vld [tilespmem:$0x52];
	[tilespmem:$0x1A40] =	vst v0  }
0x34: {  	v61 =	vld [tilespmem:$0x62];
	[tilespmem:$0x1A50] =	vst v0  }
0x35: {  	[tilespmem:$0x1A60] =	vst v0  }
0x36: {  	[tilespmem:$0x1A70] =	vst v0  }
0x37: {  	[tilespmem:$0x1A00] =	vst v1  }
0x38: {  	[tilespmem:$0x1A10] =	vst v2  }
0x39: {  	[tilespmem:$0x1A20] =	vst v3;
	v1 =	vnsel vm0, $0x9, v61  }
0x3a: {  	s19 =	simm.s32 $0x1A00;
	s20 =	simm.s32 $0x99D0;
	[tilespmem:$0x1A30] =	vst v1  }
0x3b: {  	[tilespmem:s20], [sflag:$0x1] =	stream.indirect.gather [spmem:s2], $0x80, s19, s17, $0xb8;
	[tilespmem:$0x1D9D0] =	vst v63  }
0x3c: {  	v1 =	vld [tilespmem:$0x64]  }
0x3d: {  	v2 =	vld [tilespmem:$0x74]  }
0x3e: {  	v3 =	vld [tilespmem:$0x84];
	[tilespmem:$0x1AC0] =	vst v0  }
0x3f: {  	v62 =	vld [tilespmem:$0x94];
	[tilespmem:$0x1AD0] =	vst v0  }
0x40: {  	[tilespmem:$0x1AE0] =	vst v0  }
0x41: {  	[tilespmem:$0x1AF0] =	vst v0  }
0x42: {  	[tilespmem:$0x1A80] =	vst v1  }
0x43: {  	[tilespmem:$0x1A90] =	vst v2  }
0x44: {  	[tilespmem:$0x1AA0] =	vst v3;
	v1 =	vnsel vm0, $0x9, v62  }
0x45: {  	s21 =	simm.s32 $0x1A80;
	s22 =	simm.s32 $0xD9D0;
	[tilespmem:$0x1AB0] =	vst v1  }
0x46: {  	[tilespmem:s22], [sflag:$0x1] =	stream.indirect.gather [spmem:s2], $0x80, s21, s17, $0xb8;
	[tilespmem:$0x1D9D0] =	vst v63  }
0x47: {  	v1 =	vld [tilespmem:$0x96]  }
0x48: {  	v2 =	vld [tilespmem:$0xA6]  }
0x49: {  	v3 =	vld [tilespmem:$0xB6];
	[tilespmem:$0x1B40] =	vst v0  }
0x4a: {  	v63 =	vld [tilespmem:$0xC6];
	[tilespmem:$0x1B50] =	vst v0  }
0x4b: {  	[tilespmem:$0x1B60] =	vst v0  }
0x4c: {  	[tilespmem:$0x1B70] =	vst v0  }
0x4d: {  	[tilespmem:$0x1B00] =	vst v1  }
0x4e: {  	[tilespmem:$0x1B10] =	vst v2  }
0x4f: {  	[tilespmem:$0x1B20] =	vst v3;
	v1 =	vnsel vm0, $0x9, v63  }
0x50: {  	s23 =	simm.s32 $0x1B00;
	[tilespmem:$0x1B30] =	vst v1  }
0x51: {  	[tilespmem:s25], [sflag:$0x1] =	stream.indirect.gather [spmem:s2], $0x80, s23, s17, $0xb8;
	[tilespmem:$0x1D9D0] =	vst v63  }
0x52: {  	_ =	swait.ge [sflag:s26], $0x2700  }
0x53: {  	[sflag:s26] =	ssyncset.done $0x0  }
0x54: {  	[sflag:s26] =	ssyncadd.s32 $0xFFFFD900  }
0x55: {  	_ =	swait.ge [sflag:s26], $0x2700  }
0x56: {  	[sflag:s26] =	ssyncset.done $0x0  }
0x57: {  	[sflag:s26] =	ssyncadd.s32 $0xFFFFD900  }
0x58: {  	_ =	swait.ge [sflag:s26], $0x2700  }
0x59: {  	[sflag:s26] =	ssyncset.done $0x0  }
0x5a: {  	[sflag:s26] =	ssyncadd.s32 $0xFFFFD900  }
0x5b: {  	_ =	swait.ge [sflag:s26], $0x2700  }
0x5c: {  	[sflag:s26] =	ssyncset.done $0x0  }
0x5d: {  	[sflag:s26] =	ssyncadd.s32 $0xFFFFD900  }
0x5e: {  	_ =	swait.ge [sflag:s26], $0x2700  }
0x5f: {  	[sflag:s26] =	ssyncset.done $0x0  }
0x60: {  	[sflag:s26] =	ssyncadd.s32 $0xFFFFD900  }
0x61: {  	_ =	swait.ge [sflag:s26], $0x2700  }
0x62: {  	p1 =	por $0x0, $0x0;
	[sflag:s26] =	ssyncset.done $0x0  }
0x63: {  	p4 =	por p1, p1;
	s0 =	simm.s32 $0x12A;
	[sflag:s26] =	ssyncadd.s32 $0xFFFFD900  }
0x64: {  	v1 =	vld @!p4 [tilespmem:s0+$0xFFFFFF9E];
	_ =	sdelay $0x3  }
0x65: {  	s1 =	simm.s32 @!p4 $0x0  }
0x66: {  	[tilespmem:s1+$0x1B80] =	vst @!p4 v1  }
0x67: {  	v1 =	vld @!p4 [tilespmem:s0+$0xFFFFFFAE];
	_ =	sdelay $0x4  }
0x68: {  	[tilespmem:s1+$0x1B90] =	vst @!p4 v1  }
0x69: {  	v1 =	vld @!p4 [tilespmem:s0+$0xFFFFFFBE];
	_ =	sdelay $0x4  }
0x6a: {  	[tilespmem:s1+$0x1BA0] =	vst @!p4 v1  }
0x6b: {  	v1 =	vld @!p4 [tilespmem:s0+$0xFFFFFFCE]  }
0x6c: {  	v2 =	vimm.s32 @!p4 $0x9  }
0x6d: {  	[tilespmem:s1+$0x1BD0] =	vst @!p4 v2  }
0x6e: {  	[tilespmem:s1+$0x1BC0] =	vst @!p4 v2  }
0x6f: {  	vm1 =	vmmov @!p4 $0x3;
	[tilespmem:s1+$0x1BE0] =	vst @!p4 v2  }
0x70: {  	[tilespmem:s1+$0x1BF0] =	vst @!p4 v2;
	v1 =	vnsel @!p4 vm1, $0x9, v1  }
0x71: {  	[tilespmem:s1+$0x1BB0] =	vst @!p4 v1  }
0x72: {  	v1 =	vld @!p4 [tilespmem:s0+$0xFFFFFFD0];
	_ =	sdelay $0x4  }
0x73: {  	[tilespmem:s1+$0x1C00] =	vst @!p4 v1  }
0x74: {  	v1 =	vld @!p4 [tilespmem:s0+$0xFFFFFFE0];
	_ =	sdelay $0x4  }
0x75: {  	[tilespmem:s1+$0x1C10] =	vst @!p4 v1  }
0x76: {  	v1 =	vld @!p4 [tilespmem:s0+$0xFFFFFFF0];
	_ =	sdelay $0x1  }
0x77: {  	s6 =	simm.s32 $0x2  }
0x78: {  	p2 =	por $0x0, $0x0;
	s6 =	smul.u32 @!p1 $0xAB, s6;
	s11 =	simm.s32 $0x3  }
0x79: {  	p3 =	por $0x1, $0x1;
	s30 =	simm.s32 $0x400;
	s11 =	smul.u32 @!p2 $0xAB, s11  }
0x7a: {  	s31 =	simm.s32 $0x1;
	p6 =	por $0x1, $0x1;
	s6 =	sshrl.u32 @!p1 s6, $0x9;
	[tilespmem:s1+$0x1C20] =	vst @!p4 v1  }
0x7b: {  	s24 =	smul.u32 $0xAB, s3;
	s6 =	sand.u32 @!p1 $0x7F, s6;
	s12 =	sshrl.u32 @!p2 s11, $0x9;
	v1 =	vld @!p4 [tilespmem:s0+$0x0]  }
0x7c: {  	p3 =	por p3, p3;
	s6 =	smul.u32 @!p1 $0x3, s6;
	s12 =	sand.u32 @!p2 $0x7F, s12  }
0x7d: {  	p5 =	por @!p4 $0x1, $0x1;
	p3 =	por p3, p3;
	s12 =	smul.u32 @!p2 $0x3, s12;
	[tilespmem:s1+$0x1C70] =	vst @!p4 v2  }
0x7e: {  	p5 =	por p5, p4;
	s11 =	simm.s32 $0x800;
	s6 =	ssub.s32 @!p1 $0x2, s6;
	[tilespmem:s1+$0x1C40] =	vst @!p4 v2  }
0x7f: {  	s13 =	simm.s32 @!p4 $0x1B80;
	s6 =	sand.u32 @!p1 $0xFF, s6;
	s12 =	ssub.s32 @!p2 $0x3, s12;
	[tilespmem:s1+$0x1C50] =	vst @!p4 v2  }
0x80: {  	s14 =	simm.s32 @!p4 $0x1C00;
	s6 =	sshll.u32 @!p1 s6, $0xF;
	s12 =	sand.u32 @!p2 $0xFF, s12;
	[tilespmem:s1+$0x1C60] =	vst @!p4 v2;
	v1 =	vnsel @!p4 vm1, $0x9, v1  }
0x81: {  	s16 =	simm.s32 @!p5 $0x2;
	s18 =	simm.s32 @!p4 $0x32;
	s12 =	sshll.u32 @!p2 s12, $0xF;
	[tilespmem:s1+$0x1C30] =	vst @!p4 v1  }
0x82: {  	s19 =	simm.s32 @!p3 $0x1980;
	s21 =	simm.s32 @!p3 $0x0;
	_ =	swait.ge @!p5 [sflag:s16], $0x8000  }
0x83: {  	s0 =	sor.u32 @!p1 $0x59D0, s6;
	s1 =	sshrl.u32 s24, $0x9;
	[sflag:s16] =	ssyncset.done @!p5 $0x0  }
0x84: {  	s6 =	sadd.s32 @!p1 $0x99D0, s6;
	s1 =	sand.u32 $0x7F, s1;
	[sflag:s16] =	ssyncadd.s32 @!p5 $0xFFFF8000  }
0x85: {  	[tilespmem:s0], [sflag:$0x1] =	stream.indirect.gather @!p4 [spmem:s2], $0x80, s13, s18, $0xb8;
	[tilespmem:$0x1D9D0] =	vst v63  }
0x86: {  	p1 =	por p6, p6;
	s1 =	smul.u32 $0x3, s1;
	s0 =	sor.u32 @!p2 $0x59D0, s12  }
0x87: {  	[tilespmem:s6], [sflag:$0x1] =	stream.indirect.gather @!p4 [spmem:s2], $0x80, s14, s18, $0xb8;
	[tilespmem:$0x1D9D0] =	vst v63  }
0x88: {  	s13 =	sadd.s32 @!p2 $0x99D0, s12;
	s1 =	ssub.s32 $0x0, s1;
	_ =	swait.ge [sflag:s28], $0x1900  }
0x89: {  	s12 =	simm.s32 $0x18E;
	s1 =	sand.u32 $0xFF, s1;
	[sflag:s28] =	ssyncset.done $0x0  }
0x8a: {  	s1 =	sshll.u32 s1, $0xF;
	s14 =	simm.s32 $0x2;
	[sflag:s28] =	ssyncadd.s32 $0xFFFFE700  }
0x8b: {  	s6 =	smov.u32 s15;
	s22 =	sor.u32 $0x59D0, s1;
	_ =	swait.ge [sflag:s28], $0x1900  }
0x8c: {  	s1 =	sadd.s32 $0x1000, s15;
	[sflag:s28] =	ssyncset.done $0x0;
	s23 =	rddreg [dreg:$0x6]  }
.LBB2_2:
0x8d: {  	[sflag:s28] =	ssyncadd.s32 $0xFFFFE700  }
0x8e: {  	[hbm4b:s6+s3] =	stream.linear.scatter [tilespmem:s22], [sflag:$0x2], $0x8000, $0x38;
	[tilespmem:$0x1D9D0] =	vst v63  }
0x8f: {  	p5 =	por p2, p2  }
0x90: {  	[hbm4b:s23+s21] =	stream.linear.scatter @!p3 [tilespmem:s19], [sflag:$0x3], $0x4000, $0x38;
	[tilespmem:$0x1D9D0] =	vst v63  }
0x91: {  	v1 =	vld @!p5 [tilespmem:s12+$0xFFFFFF9E];
	_ =	sdelay $0x3  }
0x92: {  	s22 =	sshra.s32 @!p5 s30, $0x2  }
0x93: {  	[tilespmem:s22+$0x1B80] =	vst @!p5 v1  }
0x94: {  	v1 =	vld @!p5 [tilespmem:s12+$0xFFFFFFAE];
	_ =	sdelay $0x4  }
0x95: {  	[tilespmem:s22+$0x1B90] =	vst @!p5 v1  }
0x96: {  	v1 =	vld @!p5 [tilespmem:s12+$0xFFFFFFBE];
	_ =	sdelay $0x4  }
0x97: {  	[tilespmem:s22+$0x1BA0] =	vst @!p5 v1  }
0x98: {  	v1 =	vld @!p5 [tilespmem:s12+$0xFFFFFFCE]  }
0x99: {  	v2 =	vimm.s32 @!p5 $0x9  }
0x9a: {  	[tilespmem:s22+$0x1BD0] =	vst @!p5 v2  }
0x9b: {  	[tilespmem:s22+$0x1BC0] =	vst @!p5 v2  }
0x9c: {  	vm1 =	vmmov @!p5 $0x3;
	[tilespmem:s22+$0x1BE0] =	vst @!p5 v2  }
0x9d: {  	[tilespmem:s22+$0x1BF0] =	vst @!p5 v2;
	v1 =	vnsel @!p5 vm1, $0x9, v1  }
0x9e: {  	[tilespmem:s22+$0x1BB0] =	vst @!p5 v1  }
0x9f: {  	v1 =	vld @!p5 [tilespmem:s12+$0xFFFFFFD0];
	_ =	sdelay $0x4  }
0xa0: {  	[tilespmem:s22+$0x1C00] =	vst @!p5 v1  }
0xa1: {  	v1 =	vld @!p5 [tilespmem:s12+$0xFFFFFFE0];
	_ =	sdelay $0x4  }
0xa2: {  	[tilespmem:s22+$0x1C10] =	vst @!p5 v1  }
0xa3: {  	v1 =	vld @!p5 [tilespmem:s12+$0xFFFFFFF0];
	_ =	sdelay $0x3  }
0xa4: {  	s24 =	sadd.s32 $0x2, s14  }
0xa5: {  	s20 =	smov.u32 s11;
	s18 =	smov.u32 s13;
	p2 =	sgt.u32 s14, $0x3D;
	[tilespmem:s22+$0x1C20] =	vst @!p5 v1  }
0xa6: {  	s16 =	smov.u32 s31;
	s11 =	sadd.s32 $0x400, s11;
	s6 =	smul.u32 @!p2 $0xAB, s24;
	v1 =	vld @!p5 [tilespmem:s12+$0x0]  }
0xa7: {  	s31 =	smov.u32 s14;
	s14 =	sadd.s32 $0x1, s14;
	p6 =	sne.s32 s20, $0xF800  }
0xa8: {  	p4 =	sne.s32 s11, $0x10000;
	s13 =	sshrl.u32 @!p2 s6, $0x9;
	s6 =	smov.u32 s1;
	[tilespmem:s22+$0x1C70] =	vst @!p5 v2  }
0xa9: {  	s21 =	sadd.s32 @!p5 $0x1B80, s22;
	p3 =	por p1, p1;
	s13 =	sand.u32 @!p2 $0x7F, s13;
	[tilespmem:s22+$0x1C40] =	vst @!p5 v2  }
0xaa: {  	p1 =	por p6, p6;
	p6 =	seq.s32 @!p5 s30, $0x0;
	s13 =	smul.u32 @!p2 $0x3, s13;
	[tilespmem:s22+$0x1C50] =	vst @!p5 v2  }
0xab: {  	s19 =	sadd.s32 @!p5 $0x1C00, s22;
	s30 =	smov.u32 s20;
	p6 =	por p6, p5;
	[tilespmem:s22+$0x1C60] =	vst @!p5 v2;
	v1 =	vnsel @!p5 vm1, $0x9, v1  }
0xac: {  	s20 =	simm.s32 @!p6 $0x2;
	s13 =	ssub.s32 @!p2 s24, s13;
	s24 =	smul.u32 $0xAB, s16;
	[tilespmem:s22+$0x1C30] =	vst @!p5 v1  }
0xad: {  	s1 =	sadd.s32 $0x1000, s1;
	s13 =	sand.u32 @!p2 $0xFF, s13;
	_ =	swait.ge @!p6 [sflag:s20], $0x8000  }
0xae: {  	s13 =	sshll.u32 @!p2 s13, $0xF;
	s24 =	sshrl.u32 s24, $0x9;
	[sflag:s20] =	ssyncset.done @!p6 $0x0  }
0xaf: {  	s24 =	sand.u32 $0x7F, s24;
	s22 =	simm.s32 @!p5 $0x32;
	[sflag:s20] =	ssyncadd.s32 @!p6 $0xFFFF8000  }
0xb0: {  	[tilespmem:s0], [sflag:$0x1] =	stream.indirect.gather @!p5 [spmem:s2], $0x80, s21, s22, $0xb8;
	[tilespmem:$0x1D9D0] =	vst v63  }
0xb1: {  	s23 =	sor.u32 @!p2 $0x59D0, s13;
	s13 =	sadd.s32 @!p2 $0x99D0, s13;
	s20 =	smul.u32 $0x3, s24  }
0xb2: {  	[tilespmem:s18], [sflag:$0x1] =	stream.indirect.gather @!p5 [spmem:s2], $0x80, s19, s22, $0xb8;
	[tilespmem:$0x1D9D0] =	vst v63  }
.Ltmp0:
0xb3: {  	s12 =	sadd.s32 $0x64, s12;
	_ =	swait.ge [sflag:s28], $0x1900;
	(pc) =	sbr.rel @p4 .LBB2_2-.Ltmp0, $4  }
0xb4: {  	s0 =	smov.u32 s23;
	s16 =	ssub.s32 s16, s20;
	[sflag:s28] =	ssyncset.done $0x0  }
0xb5: {  	s21 =	simm.s32 @!p3 $0x0;
	s16 =	sand.u32 $0xFF, s16;
	[sflag:s28] =	ssyncadd.s32 $0xFFFFE700  }
0xb6: {  	s19 =	simm.s32 @!p3 $0x1980;
	s16 =	sshll.u32 s16, $0xF;
	_ =	swait.ge [sflag:s28], $0x1900  }
0xb7: {  	s22 =	sor.u32 $0x59D0, s16;
	[sflag:s28] =	ssyncset.done $0x0;
	s23 =	rddreg [dreg:$0x6]  }
0xb8: {  	[sflag:s28] =	ssyncadd.s32 $0xFFFFE700  }
0xb9: {  	[hbm4b:s6+s3] =	stream.linear.scatter [tilespmem:s22], [sflag:$0x2], $0x8000, $0x38;
	[tilespmem:$0x1D9D0] =	vst v63  }
0xba: {  	p2 =	por p2, p2  }
0xbb: {  	[hbm4b:s23+s21] =	stream.linear.scatter @!p3 [tilespmem:s19], [sflag:$0x3], $0x4000, $0x38;
	[tilespmem:$0x1D9D0] =	vst v63  }
0xbc: {  	v1 =	vld @!p2 [tilespmem:s12+$0xFFFFFF9E];
	_ =	sdelay $0x3  }
0xbd: {  	s6 =	sshra.s32 @!p2 s30, $0x2  }
0xbe: {  	[tilespmem:s6+$0x1B80] =	vst @!p2 v1  }
0xbf: {  	v1 =	vld @!p2 [tilespmem:s12+$0xFFFFFFAE];
	_ =	sdelay $0x4  }
0xc0: {  	[tilespmem:s6+$0x1B90] =	vst @!p2 v1  }
0xc1: {  	v1 =	vld @!p2 [tilespmem:s12+$0xFFFFFFBE];
	_ =	sdelay $0x4  }
0xc2: {  	[tilespmem:s6+$0x1BA0] =	vst @!p2 v1  }
0xc3: {  	v1 =	vld @!p2 [tilespmem:s12+$0xFFFFFFCE]  }
0xc4: {  	v2 =	vimm.s32 @!p2 $0x9  }
0xc5: {  	[tilespmem:s6+$0x1BD0] =	vst @!p2 v2  }
0xc6: {  	[tilespmem:s6+$0x1BC0] =	vst @!p2 v2  }
0xc7: {  	vm1 =	vmmov @!p2 $0x3;
	[tilespmem:s6+$0x1BE0] =	vst @!p2 v2  }
0xc8: {  	[tilespmem:s6+$0x1BF0] =	vst @!p2 v2;
	v1 =	vnsel @!p2 vm1, $0x9, v1  }
0xc9: {  	[tilespmem:s6+$0x1BB0] =	vst @!p2 v1  }
0xca: {  	v1 =	vld @!p2 [tilespmem:s12+$0xFFFFFFD0];
	_ =	sdelay $0x4  }
0xcb: {  	[tilespmem:s6+$0x1C00] =	vst @!p2 v1  }
0xcc: {  	v1 =	vld @!p2 [tilespmem:s12+$0xFFFFFFE0];
	_ =	sdelay $0x4  }
0xcd: {  	[tilespmem:s6+$0x1C10] =	vst @!p2 v1  }
0xce: {  	v1 =	vld @!p2 [tilespmem:s12+$0xFFFFFFF0];
	_ =	sdelay $0x4  }
0xcf: {  	[tilespmem:s6+$0x1C20] =	vst @!p2 v1  }
0xd0: {  	v1 =	vld @!p2 [tilespmem:s12+$0x0];
	_ =	sdelay $0x1  }
0xd1: {  	[tilespmem:s6+$0x1C70] =	vst @!p2 v2  }
0xd2: {  	[tilespmem:s6+$0x1C40] =	vst @!p2 v2  }
0xd3: {  	p3 =	seq.s32 @!p2 s30, $0x0;
	[tilespmem:s6+$0x1C50] =	vst @!p2 v2  }
0xd4: {  	p3 =	por p3, p2;
	[tilespmem:s6+$0x1C60] =	vst @!p2 v2;
	v1 =	vnsel @!p2 vm1, $0x9, v1  }
0xd5: {  	s11 =	simm.s32 @!p3 $0x2;
	[tilespmem:s6+$0x1C30] =	vst @!p2 v1  }
0xd6: {  	s23 =	smul.u32 $0xAB, s31;
	_ =	swait.ge @!p3 [sflag:s11], $0x8000  }
0xd7: {  	s16 =	simm.s32 @!p2 $0x32;
	[sflag:s11] =	ssyncset.done @!p3 $0x0  }
0xd8: {  	s14 =	sadd.s32 @!p2 $0x1B80, s6;
	s12 =	sshrl.u32 s23, $0x9;
	[sflag:s11] =	ssyncadd.s32 @!p3 $0xFFFF8000  }
0xd9: {  	[tilespmem:s0], [sflag:$0x1] =	stream.indirect.gather @!p2 [spmem:s2], $0x80, s14, s16, $0xb8;
	[tilespmem:$0x1D9D0] =	vst v63  }
0xda: {  	s24 =	sand.u32 $0x7F, s12;
	s0 =	sadd.s32 @!p2 $0x1C00, s6  }
0xdb: {  	[tilespmem:s13], [sflag:$0x1] =	stream.indirect.gather @!p2 [spmem:s2], $0x80, s0, s16, $0xb8;
	[tilespmem:$0x1D9D0] =	vst v63  }
0xdc: {  	s30 =	smul.u32 $0x3, s24;
	_ =	swait.ge [sflag:s28], $0x1900  }
0xdd: {  	[sflag:s28] =	ssyncset.done $0x0  }
0xde: {  	s0 =	ssub.s32 s31, s30;
	[sflag:s28] =	ssyncadd.s32 $0xFFFFE700  }
0xdf: {  	s0 =	sand.u32 $0xFF, s0;
	_ =	swait.ge [sflag:s28], $0x1900  }
0xe0: {  	s0 =	sshll.u32 s0, $0xF;
	[sflag:s28] =	ssyncset.done $0x0  }
0xe1: {  	p1 =	por p1, p1;
	s0 =	sor.u32 $0x59D0, s0;
	[sflag:s28] =	ssyncadd.s32 $0xFFFFE700  }
0xe2: {  	[hbm4b:s1+s3] =	stream.linear.scatter [tilespmem:s0], [sflag:$0x2], $0x8000, $0x38;
	[tilespmem:$0x1D9D0] =	vst v63  }
0xe3: {  	s6 =	rddreg [dreg:$0x6];
	s0 =	simm.s32 @!p1 $0x1980;
	s1 =	simm.s32 @!p1 $0x0  }
0xe4: {  	[hbm4b:s6+s1] =	stream.linear.scatter @!p1 [tilespmem:s0], [sflag:$0x3], $0x4000, $0x38;
	[tilespmem:$0x1D9D0] =	vst v63  }
0xe5: {  	_ =	swait.ge [sflag:s26], $0x8000  }
0xe6: {  	[sflag:s26] =	ssyncset.done $0x0  }
0xe7: {  	[sflag:s26] =	ssyncadd.s32 $0xFFFF8000  }
0xe8: {  	_ =	swait.ge [sflag:s26], $0x8000  }
0xe9: {  	[sflag:s26] =	ssyncset.done $0x0  }
0xea: {  	s29 =	sadd.s32 $0x1, s29;
	[sflag:s26] =	ssyncadd.s32 $0xFFFF8000  }
0xeb: {  	p1 =	sne.s32 s29, s5;
	_ =	swait.ge [sflag:s26], $0x8000  }
.Ltmp1:
0xec: {  	[sflag:s26] =	ssyncset.done $0x0;
	(pc) =	sbr.rel @p1 .LBB2_1-.Ltmp1, $4  }
0xed: {  	[sflag:s26] =	ssyncadd.s32 $0xFFFF8000  }
0xee: {  	_ =	swait.ge [sflag:s8], $0x4000  }
0xef: {  	[sflag:s8] =	ssyncset.done $0x0  }
0xf0: {  	[sflag:s8] =	ssyncadd.s32 $0xFFFFC000  }
0xf1: {  	_ =	sfence.sel $0x180000  }
0xf2: {  	[bflag:$0x0] =	sbarrier.arrive $0xFFFF  }
0xf3: {  	_ =	strace $0x90000047  }
0xf4: {  	[bflag:$0x2] =	sbarrier.arrive $0xFFFF  }
0xf5: {  	s0 =	rddreg [dreg:$0x5]  }
0xf6: {  	s0 =	sadd.s32 @!p0 $0x100000, s0  }
0xf7: {  	[sflag:s0] =	ssyncadd.tile.s32 @!p0 $0x1;
	_ =	shalt  }
.Lfunc_end2:
_tile_overlayer_lowered:
.L_overlay_start_2:
0xf8: {  	(tag) =	ssettag $0x2  }
0xf9: {  	s0 =	rddreg [dreg:$0x0];
	s2 =	stileid.u32  }
0xfa: {  	s1 =	rddreg [dreg:$0x1];
	p0 =	sne.s32 s2, $0x0  }
0xfb: {  	s3 =	rddreg [dreg:$0x2];
	[bflag:$0x3] =	sbarrier.arrive $0xFFFF;
	s2 =	simm.s32 @!p0 $0x1C04  }
0xfc: {  	[timem:s3], [sflag:s2] =	dma.local @!p0 [hbm:s0], s1  }
0xfd: {  	s0 =	simm.s32 @!p0 $0x4  }
0xfe: {  	_ =	swait.ge @!p0 [sflag:s0], s1  }
0xff: {  	s1 =	ssub.s32 @!p0 $0x0, s1;
	[sflag:s0] =	ssyncset.done @!p0 $0x0  }
0x100: {  	[sflag:s0] =	ssyncadd.s32 @!p0 s1  }
0x101: {  	[bflag:$0x3] =	sbarrier.arrive $0xFFFF  }
0x102: {  	_ =	shalt  }

</sc_bundles>
